<compile_context>
chip_gen: v7x
topology: tpu7x:2x2x1
jax: 0.10.2.dev20260603
libtpu: 0.0.44.dev20260713+nightly
codegen_flags: <defaults>
</compile_context>

<pallas_src>
import functools

import jax
import jax.numpy as jnp
from jax import lax
from jax.experimental import pallas as pl
from jax.experimental.pallas import tpu as pltpu
from jax.experimental.pallas import tpu_sc as plsc

N_EDGES = 4_000_000
N_SEL = 400_000

_G = 50
_R = 625
_L = 128

_NC, _NS = 2, 16
_TH = 25_088
_TQ = _TH // 2
_SEL_PAD = _NS * _TH
_W = 1_001_472
_FS = _W // _NS
_WL = N_EDGES - 3 * _W
_FSL = 62_208
_FSLL = _WL - 15 * _FSL
_TRASH = _W
_ZB = 5_504
_WINDOWS = [
    [(0, _W), (_W, _W)],
    [(2 * _W, _W), (3 * _W, _WL)],
]


def _dense_body(m_ref, k_ref, a_ref, o_ref):
    sig = jax.nn.sigmoid(m_ref[...])
    o_ref[...] = a_ref[...] * jnp.where(k_ref[...] == 0.0, sig, 0.5)


_dense = pl.pallas_call(
    _dense_body,
    grid=(_G,),
    in_specs=[
        pl.BlockSpec((1, _R, _L), lambda i: (i, 0, 0)),
        pl.BlockSpec((1, _R, _L), lambda i: (i, 0, 0)),
        pl.BlockSpec((1, _R, _L), lambda i: (i, 0, 0)),
    ],
    out_specs=pl.BlockSpec((1, _R, _L), lambda i: (i, 0, 0)),
    out_shape=jax.ShapeDtypeStruct((_G, _R, _L), jnp.float32),
)


def _keep_body(ones_hbm, idx_hbm, keep_hbm,
               idx_v, ila_v, ilb_v, osrc_v, zbuf_v, keep_sh):
    c = lax.axis_index("c")
    s = lax.axis_index("s")
    il = [ila_v, ilb_v]

    pltpu.sync_copy(idx_hbm.at[pl.ds(s * _TH, _TH)], idx_v)
    pltpu.sync_copy(ones_hbm, osrc_v)

    def _zfill(i, carry):
        o = pl.multiple_of(i * 16, 16)
        zbuf_v[pl.ds(o, 16)] = jnp.zeros((16,), jnp.float32)
        return carry

    lax.fori_loop(0, _ZB // 16, _zfill, 0)

    for p in range(2):
        if p > 0:
            plsc.subcore_barrier()
        (b0, w0), (b1, w1) = _WINDOWS[p]
        base = jnp.where(c == 0, b0, b1)
        size = jnp.where(c == 0, jnp.int32(w0), jnp.int32(w1))
        last = p == 1
        fs_main = _FS if not last else None

        def _init_stream(o, ln):
            off = 0
            while off < ln:
                ck = min(_ZB, ln - off)
                pltpu.sync_copy(zbuf_v.at[pl.ds(0, ck)],
                                keep_sh.at[pl.ds(pl.multiple_of(o + off, 128), ck)])
                off += ck

        if not last:
            _init_stream(pl.multiple_of(s * _FS, 128), _FS)
        else:
            @pl.when(c == 0)
            def _init_c0():
                _init_stream(pl.multiple_of(s * _FS, 128), _FS)

            @pl.when(jnp.logical_and(c == 1, s < 15))
            def _init_c1():
                _init_stream(pl.multiple_of(s * _FSL, 128), _FSL)

            @pl.when(jnp.logical_and(c == 1, s == 15))
            def _init_c1l():
                _init_stream(15 * _FSL, _FSLL)

        for h in range(2):
            trash = _TRASH + s * 16 + lax.iota(jnp.int32, 16)

            def _remap(i, carry, base=base, size=size, h=h, trash=trash):
                o = pl.multiple_of(i * 16, 16)
                t = idx_v[pl.ds(pl.multiple_of(h * _TQ + i * 16, 16), 16)] - base
                ok = jnp.logical_and(t >= 0, t < size)
                il[h][pl.ds(o, 16)] = jnp.where(ok, t, trash)
                return carry

            lax.fori_loop(0, _TQ // 16, _remap, 0)

        plsc.subcore_barrier()
        pltpu.sync_copy(osrc_v, keep_sh.at[ila_v], add=True)
        pltpu.sync_copy(osrc_v, keep_sh.at[ilb_v], add=True)
        plsc.subcore_barrier()

        if not last:
            o_f = pl.multiple_of(s * _FS, 128)
            oh_f = pl.multiple_of(base + s * _FS, 128)
            pltpu.sync_copy(keep_sh.at[pl.ds(o_f, _FS)],
                            keep_hbm.at[pl.ds(oh_f, _FS)])
        else:
            @pl.when(c == 0)
            def _flush_c0(base=base):
                o = pl.multiple_of(s * _FS, 128)
                oh = pl.multiple_of(base + s * _FS, 128)
                pltpu.sync_copy(keep_sh.at[pl.ds(o, _FS)],
                                keep_hbm.at[pl.ds(oh, _FS)])

            @pl.when(jnp.logical_and(c == 1, s < 15))
            def _flush_c1(base=base):
                o = pl.multiple_of(s * _FSL, 128)
                oh = pl.multiple_of(base + s * _FSL, 128)
                pltpu.sync_copy(keep_sh.at[pl.ds(o, _FSL)],
                                keep_hbm.at[pl.ds(oh, _FSL)])

            @pl.when(jnp.logical_and(c == 1, s == 15))
            def _flush_c1l(base=base):
                o = 15 * _FSL
                oh = pl.multiple_of(base + 15 * _FSL, 128)
                pltpu.sync_copy(keep_sh.at[pl.ds(o, _FSLL)],
                                keep_hbm.at[pl.ds(oh, _FSLL)])


@functools.cache
def _get_keep():
    mesh = plsc.VectorSubcoreMesh(
        core_axis_name="c", subcore_axis_name="s",
        num_cores=_NC, num_subcores=_NS,
    )
    return pl.kernel(
        _keep_body,
        out_type=jax.ShapeDtypeStruct((N_EDGES,), jnp.float32),
        mesh=mesh,
        scratch_types=[
            pltpu.VMEM((_TH,), jnp.int32),
            pltpu.VMEM((_TQ,), jnp.int32),
            pltpu.VMEM((_TQ,), jnp.int32),
            pltpu.VMEM((_TQ,), jnp.float32),
            pltpu.VMEM((_ZB,), jnp.float32),
            pltpu.VMEM_SHARED((_W + 256,), jnp.float32),
        ],
    )


def kernel(mask, idx, adj_values):
    idx32 = idx.astype(jnp.int32)
    idx_pad = jnp.concatenate(
        [idx32, jnp.broadcast_to(idx32[0], (_SEL_PAD - N_SEL,))]
    )
    ones = jnp.ones((_TQ,), jnp.float32)
    keep = _get_keep()(ones, idx_pad)
    out = _dense(
        mask.reshape(_G, _R, _L),
        keep.reshape(_G, _R, _L),
        adj_values.reshape(_G, _R, _L),
    )
    return out.reshape(N_EDGES)

# --- scband reference (transcript-rebuilt; emitter-appended) ---
"""Pipeline reference for scband-explain-module-36386962932170 (READ-ONLY COPY).

The authoritative reference and input builder live on the scoring server;
editing this copy changes nothing except your own understanding.
"""

import jax, jax.numpy as jnp
import numpy as np

NUM_EDGES = 4_000_000
NUM_SEL = 400_000


def setup_inputs(seed: int = 0) -> dict:
    key = jax.random.key(seed)
    k1, k2, k3 = jax.random.split(key, 3)
    # Edge mask parameter, initialized ~ N(1.0, std) as in construct_edge_mask 'zero_out' strategy
    std = float(np.sqrt(2.0) * np.sqrt(2.0 / (NUM_EDGES + NUM_EDGES)))
    mask = 1.0 + std * jax.random.normal(k1, (NUM_EDGES,), dtype=jnp.float32)
    # Indices of edge values belonging to the selected relation (hor + ver concatenated)
    idx = jax.random.randint(k2, (NUM_SEL,), 0, NUM_EDGES, dtype=jnp.int64)
    # Nonzero values of the (coalesced) sparse adjacency (hor/ver graphs concatenated)
    adj_values = jax.random.uniform(k3, (NUM_EDGES,), dtype=jnp.float32)
    return {"mask": mask, "idx": idx, "adj_values": adj_values}


def reference(mask, idx, adj_values):
    # zero_out init strategy: scatter-overwrite 0 at relation-selected edge positions
    #   torch: mask.data[[self._indices]] = 0
    masked = mask.at[idx].set(0.0)
    # _masked_adj_ver: apply sigmoid-gated edge mask to sparse adjacency values
    #   adj_hat = values * sigmoid(mask)
    sym_mask = jax.nn.sigmoid(masked)
    masked_adj_values = adj_values * sym_mask
    return masked_adj_values

if __name__ == "__main__":
    import jax
    _d = setup_inputs()
    print(jax.jit(kernel)(*tuple(_d.values())))

</pallas_src>

<mosaic_0001>
#map = affine_map<(d0, d1) -> (0)>
module attributes {stable_mosaic.version = 14 : i64} {
  func.func @_keep_body(%arg0: i32, %arg1: i32, %arg2: memref<12544xf32, #tpu.memory_space<hbm>>, %arg3: memref<401408xi32, #tpu.memory_space<hbm>>, %arg4: memref<4000000xf32, #tpu.memory_space<hbm>>, %arg5: memref<25088xi32, #tpu.memory_space<vmem>>, %arg6: memref<12544xi32, #tpu.memory_space<vmem>>, %arg7: memref<12544xi32, #tpu.memory_space<vmem>>, %arg8: memref<12544xf32, #tpu.memory_space<vmem>>, %arg9: memref<5504xf32, #tpu.memory_space<vmem>>, %arg10: memref<1001728xf32, #tpu.memory_space<vmem_shared>>) attributes {dimension_semantics = [#tpu.dimension_semantics<core_parallel>, #tpu.dimension_semantics<subcore_parallel>], iteration_bounds = array<i64: 2, 16>, scalar_prefetch = 0 : i64, scratch_operands = 6 : i64, tpu.core_type = #tpu.core_type<sc_vector_subcore>, window_params = [{transform_indices = #map}, {transform_indices = #map}, {transform_indices = #map}]} {
    %mul3A = arith.constant 25088 : i32
    %mul3A_0 = arith.muli %arg1, %mul3A : i32
    "tpu.region"() ({
      %run_scoped3A = tpu.sem_alloc : memref<!tpu.dma_semaphore, #tpu.memory_space<semaphore_mem>>
      %dma_start3A = tpu.memref_slice %arg3[%mul3A_0] : memref<401408xi32, #tpu.memory_space<hbm>> -> memref<25088xi32, #tpu.memory_space<hbm>>
      %dma_start3A_160 = tpu.memref_slice %arg3[%mul3A_0] : memref<401408xi32, #tpu.memory_space<hbm>> -> memref<25088xi32, #tpu.memory_space<hbm>>
      tpu.enqueue_dma source(%dma_start3A_160 : memref<25088xi32, #tpu.memory_space<hbm>>) target(%arg5 : memref<25088xi32, #tpu.memory_space<vmem>>) target_semaphore(%run_scoped3A : memref<!tpu.dma_semaphore, #tpu.memory_space<semaphore_mem>>)
      %dma_wait3A = tpu.memref_slice %arg3[%mul3A_0] : memref<401408xi32, #tpu.memory_space<hbm>> -> memref<25088xi32, #tpu.memory_space<hbm>>
      %dma_wait3A_161 = tpu.memref_slice %arg3[%mul3A_0] : memref<401408xi32, #tpu.memory_space<hbm>> -> memref<25088xi32, #tpu.memory_space<hbm>>
      tpu.wait_dma2 semaphore(%run_scoped3A : memref<!tpu.dma_semaphore, #tpu.memory_space<semaphore_mem>>) src(%dma_wait3A_161 : memref<25088xi32, #tpu.memory_space<hbm>>) dst(%arg5 : memref<25088xi32, #tpu.memory_space<vmem>>)
      tpu.yield
    }) : () -> ()
    "tpu.region"() ({
      %run_scoped3A = tpu.sem_alloc : memref<!tpu.dma_semaphore, #tpu.memory_space<semaphore_mem>>
      tpu.enqueue_dma source(%arg2 : memref<12544xf32, #tpu.memory_space<hbm>>) target(%arg8 : memref<12544xf32, #tpu.memory_space<vmem>>) target_semaphore(%run_scoped3A : memref<!tpu.dma_semaphore, #tpu.memory_space<semaphore_mem>>)
      tpu.wait_dma2 semaphore(%run_scoped3A : memref<!tpu.dma_semaphore, #tpu.memory_space<semaphore_mem>>) src(%arg2 : memref<12544xf32, #tpu.memory_space<hbm>>) dst(%arg8 : memref<12544xf32, #tpu.memory_space<vmem>>)
      tpu.yield
    }) : () -> ()
    %scan3A = arith.constant 0 : i32
    %scan3A_1 = arith.constant 0 : i32
    %scan3A_2 = arith.constant 344 : i32
    %scan3A_3 = arith.addi %scan3A_1, %scan3A_2 : i32
    %scan3A_4 = arith.constant 1 : i32
    scf.for %scan3A_160 = %scan3A_1 to %scan3A_3 step %scan3A_4  : i32 {
      %mul3A_161 = arith.constant 16 : i32
      %mul3A_162 = arith.muli %scan3A_160, %mul3A_161 : i32
      %multiple_of3A_163 = tpu.assume_multiple %mul3A_162, 16 : i32
      %broadcast_in_dim3A = arith.constant 0.000000e+00 : f32
      %broadcast_in_dim3A_164 = vector.broadcast %broadcast_in_dim3A : f32 to vector<16xf32>
      %swap3A = arith.index_cast %multiple_of3A_163 : i32 to index
      %swap3A_165 = tpu.vector_load %arg9[%swap3A] {strides = array<i32>} : memref<5504xf32, #tpu.memory_space<vmem>>, vector<16xf32>,
      %swap3A_166 = vector.shape_cast %swap3A_165 : vector<16xf32> to vector<16xf32>
      %swap3A_167 = vector.shape_cast %broadcast_in_dim3A_164 : vector<16xf32> to vector<16xf32>
      tpu.vector_store %arg9[%swap3A], %swap3A_167 {strides = array<i32>} : memref<5504xf32, #tpu.memory_space<vmem>>, vector<16xf32>,
    }
    %scan3A_5 = arith.constant 344 : i32
    %eq3A = arith.constant 0 : i32
    %eq3A_6 = arith.cmpi eq, %arg0, %eq3A : i32
    %jit3A = arith.constant 0 : i32
    %jit3A_7 = arith.constant 1001472 : i32
    %select_n3A = arith.select %eq3A_6, %jit3A, %jit3A_7 : i32
    %eq3A_8 = arith.constant 0 : i32
    %eq3A_9 = arith.cmpi eq, %arg0, %eq3A_8 : i32
    %jit3A_10 = arith.constant 1001472 : i32
    %jit3A_11 = arith.constant 1001472 : i32
    %select_n3A_12 = arith.select %eq3A_9, %jit3A_10, %jit3A_11 : i32
    %mul3A_13 = arith.constant 62592 : i32
    %mul3A_14 = arith.muli %arg1, %mul3A_13 : i32
    %multiple_of3A = tpu.assume_multiple %mul3A_14, 128 : i32
    %add3A = arith.constant 0 : i32
    %add3A_15 = arith.addi %multiple_of3A, %add3A : i32
    %multiple_of3A_16 = tpu.assume_multiple %add3A_15, 128 : i32
    "tpu.region"() ({
      %run_scoped3A = tpu.sem_alloc : memref<!tpu.dma_semaphore, #tpu.memory_space<semaphore_mem>>
      %dma_start3A = arith.constant 0 : i32
      %dma_start3A_160 = tpu.memref_slice %arg9[%dma_start3A] : memref<5504xf32, #tpu.memory_space<vmem>> -> memref<5504xf32, #tpu.memory_space<vmem>>
      %dma_start3A_161 = tpu.memref_slice %arg10[%multiple_of3A_16] : memref<1001728xf32, #tpu.memory_space<vmem_shared>> -> memref<5504xf32, #tpu.memory_space<vmem_shared>>
      %dma_start3A_162 = tpu.memref_slice %arg10[%multiple_of3A_16] : memref<1001728xf32, #tpu.memory_space<vmem_shared>> -> memref<5504xf32, #tpu.memory_space<vmem_shared>>
      %dma_start3A_163 = arith.constant 0 : i32
      %dma_start3A_164 = tpu.memref_slice %arg9[%dma_start3A_163] : memref<5504xf32, #tpu.memory_space<vmem>> -> memref<5504xf32, #tpu.memory_space<vmem>>
      tpu.enqueue_dma source(%dma_start3A_164 : memref<5504xf32, #tpu.memory_space<vmem>>) target(%dma_start3A_162 : memref<5504xf32, #tpu.memory_space<vmem_shared>>) target_semaphore(%run_scoped3A : memref<!tpu.dma_semaphore, #tpu.memory_space<semaphore_mem>>)
      %dma_wait3A = arith.constant 0 : i32
      %dma_wait3A_165 = tpu.memref_slice %arg9[%dma_wait3A] : memref<5504xf32, #tpu.memory_space<vmem>> -> memref<5504xf32, #tpu.memory_space<vmem>>
      %dma_wait3A_166 = tpu.memref_slice %arg10[%multiple_of3A_16] : memref<1001728xf32, #tpu.memory_space<vmem_shared>> -> memref<5504xf32, #tpu.memory_space<vmem_shared>>
      %dma_wait3A_167 = tpu.memref_slice %arg10[%multiple_of3A_16] : memref<1001728xf32, #tpu.memory_space<vmem_shared>> -> memref<5504xf32, #tpu.memory_space<vmem_shared>>
      %dma_wait3A_168 = arith.constant 0 : i32
      %dma_wait3A_169 = tpu.memref_slice %arg9[%dma_wait3A_168] : memref<5504xf32, #tpu.memory_space<vmem>> -> memref<5504xf32, #tpu.memory_space<vmem>>
      tpu.wait_dma2 semaphore(%run_scoped3A : memref<!tpu.dma_semaphore, #tpu.memory_space<semaphore_mem>>) src(%dma_wait3A_169 : memref<5504xf32, #tpu.memory_space<vmem>>) dst(%dma_wait3A_167 : memref<5504xf32, #tpu.memory_space<vmem_shared>>)
      tpu.yield
    }) : () -> ()
    %add3A_17 = arith.constant 5504 : i32
    %add3A_18 = arith.addi %multiple_of3A, %add3A_17 : i32
    %multiple_of3A_19 = tpu.assume_multiple %add3A_18, 128 : i32
    "tpu.region"() ({
      %run_scoped3A = tpu.sem_alloc : memref<!tpu.dma_semaphore, #tpu.memory_space<semaphore_mem>>
      %dma_start3A = arith.constant 0 : i32
      %dma_start3A_160 = tpu.memref_slice %arg9[%dma_start3A] : memref<5504xf32, #tpu.memory_space<vmem>> -> memref<5504xf32, #tpu.memory_space<vmem>>
      %dma_start3A_161 = tpu.memref_slice %arg10[%multiple_of3A_19] : memref<1001728xf32, #tpu.memory_space<vmem_shared>> -> memref<5504xf32, #tpu.memory_space<vmem_shared>>
      %dma_start3A_162 = tpu.memref_slice %arg10[%multiple_of3A_19] : memref<1001728xf32, #tpu.memory_space<vmem_shared>> -> memref<5504xf32, #tpu.memory_space<vmem_shared>>
      %dma_start3A_163 = arith.constant 0 : i32
      %dma_start3A_164 = tpu.memref_slice %arg9[%dma_start3A_163] : memref<5504xf32, #tpu.memory_space<vmem>> -> memref<5504xf32, #tpu.memory_space<vmem>>
      tpu.enqueue_dma source(%dma_start3A_164 : memref<5504xf32, #tpu.memory_space<vmem>>) target(%dma_start3A_162 : memref<5504xf32, #tpu.memory_space<vmem_shared>>) target_semaphore(%run_scoped3A : memref<!tpu.dma_semaphore, #tpu.memory_space<semaphore_mem>>)
      %dma_wait3A = arith.constant 0 : i32
      %dma_wait3A_165 = tpu.memref_slice %arg9[%dma_wait3A] : memref<5504xf32, #tpu.memory_space<vmem>> -> memref<5504xf32, #tpu.memory_space<vmem>>
      %dma_wait3A_166 = tpu.memref_slice %arg10[%multiple_of3A_19] : memref<1001728xf32, #tpu.memory_space<vmem_shared>> -> memref<5504xf32, #tpu.memory_space<vmem_shared>>
      %dma_wait3A_167 = tpu.memref_slice %arg10[%multiple_of3A_19] : memref<1001728xf32, #tpu.memory_space<vmem_shared>> -> memref<5504xf32, #tpu.memory_space<vmem_shared>>
      %dma_wait3A_168 = arith.constant 0 : i32
      %dma_wait3A_169 = tpu.memref_slice %arg9[%dma_wait3A_168] : memref<5504xf32, #tpu.memory_space<vmem>> -> memref<5504xf32, #tpu.memory_space<vmem>>
      tpu.wait_dma2 semaphore(%run_scoped3A : memref<!tpu.dma_semaphore, #tpu.memory_space<semaphore_mem>>) src(%dma_wait3A_169 : memref<5504xf32, #tpu.memory_space<vmem>>) dst(%dma_wait3A_167 : memref<5504xf32, #tpu.memory_space<vmem_shared>>)
      tpu.yield
    }) : () -> ()
    %add3A_20 = arith.constant 11008 : i32
    %add3A_21 = arith.addi %multiple_of3A, %add3A_20 : i32
    %multiple_of3A_22 = tpu.assume_multiple %add3A_21, 128 : i32
    "tpu.region"() ({
      %run_scoped3A = tpu.sem_alloc : memref<!tpu.dma_semaphore, #tpu.memory_space<semaphore_mem>>
      %dma_start3A = arith.constant 0 : i32
      %dma_start3A_160 = tpu.memref_slice %arg9[%dma_start3A] : memref<5504xf32, #tpu.memory_space<vmem>> -> memref<5504xf32, #tpu.memory_space<vmem>>
      %dma_start3A_161 = tpu.memref_slice %arg10[%multiple_of3A_22] : memref<1001728xf32, #tpu.memory_space<vmem_shared>> -> memref<5504xf32, #tpu.memory_space<vmem_shared>>
      %dma_start3A_162 = tpu.memref_slice %arg10[%multiple_of3A_22] : memref<1001728xf32, #tpu.memory_space<vmem_shared>> -> memref<5504xf32, #tpu.memory_space<vmem_shared>>
      %dma_start3A_163 = arith.constant 0 : i32
      %dma_start3A_164 = tpu.memref_slice %arg9[%dma_start3A_163] : memref<5504xf32, #tpu.memory_space<vmem>> -> memref<5504xf32, #tpu.memory_space<vmem>>
      tpu.enqueue_dma source(%dma_start3A_164 : memref<5504xf32, #tpu.memory_space<vmem>>) target(%dma_start3A_162 : memref<5504xf32, #tpu.memory_space<vmem_shared>>) target_semaphore(%run_scoped3A : memref<!tpu.dma_semaphore, #tpu.memory_space<semaphore_mem>>)
      %dma_wait3A = arith.constant 0 : i32
      %dma_wait3A_165 = tpu.memref_slice %arg9[%dma_wait3A] : memref<5504xf32, #tpu.memory_space<vmem>> -> memref<5504xf32, #tpu.memory_space<vmem>>
      %dma_wait3A_166 = tpu.memref_slice %arg10[%multiple_of3A_22] : memref<1001728xf32, #tpu.memory_space<vmem_shared>> -> memref<5504xf32, #tpu.memory_space<vmem_shared>>
      %dma_wait3A_167 = tpu.memref_slice %arg10[%multiple_of3A_22] : memref<1001728xf32, #tpu.memory_space<vmem_shared>> -> memref<5504xf32, #tpu.memory_space<vmem_shared>>
      %dma_wait3A_168 = arith.constant 0 : i32
      %dma_wait3A_169 = tpu.memref_slice %arg9[%dma_wait3A_168] : memref<5504xf32, #tpu.memory_space<vmem>> -> memref<5504xf32, #tpu.memory_space<vmem>>
      tpu.wait_dma2 semaphore(%run_scoped3A : memref<!tpu.dma_semaphore, #tpu.memory_space<semaphore_mem>>) src(%dma_wait3A_169 : memref<5504xf32, #tpu.memory_space<vmem>>) dst(%dma_wait3A_167 : memref<5504xf32, #tpu.memory_space<vmem_shared>>)
      tpu.yield
    }) : () -> ()
    %add3A_23 = arith.constant 16512 : i32
    %add3A_24 = arith.addi %multiple_of3A, %add3A_23 : i32
    %multiple_of3A_25 = tpu.assume_multiple %add3A_24, 128 : i32
    "tpu.region"() ({
      %run_scoped3A = tpu.sem_alloc : memref<!tpu.dma_semaphore, #tpu.memory_space<semaphore_mem>>
      %dma_start3A = arith.constant 0 : i32
      %dma_start3A_160 = tpu.memref_slice %arg9[%dma_start3A] : memref<5504xf32, #tpu.memory_space<vmem>> -> memref<5504xf32, #tpu.memory_space<vmem>>
      %dma_start3A_161 = tpu.memref_slice %arg10[%multiple_of3A_25] : memref<1001728xf32, #tpu.memory_space<vmem_shared>> -> memref<5504xf32, #tpu.memory_space<vmem_shared>>
      %dma_start3A_162 = tpu.memref_slice %arg10[%multiple_of3A_25] : memref<1001728xf32, #tpu.memory_space<vmem_shared>> -> memref<5504xf32, #tpu.memory_space<vmem_shared>>
      %dma_start3A_163 = arith.constant 0 : i32
      %dma_start3A_164 = tpu.memref_slice %arg9[%dma_start3A_163] : memref<5504xf32, #tpu.memory_space<vmem>> -> memref<5504xf32, #tpu.memory_space<vmem>>
      tpu.enqueue_dma source(%dma_start3A_164 : memref<5504xf32, #tpu.memory_space<vmem>>) target(%dma_start3A_162 : memref<5504xf32, #tpu.memory_space<vmem_shared>>) target_semaphore(%run_scoped3A : memref<!tpu.dma_semaphore, #tpu.memory_space<semaphore_mem>>)
      %dma_wait3A = arith.constant 0 : i32
      %dma_wait3A_165 = tpu.memref_slice %arg9[%dma_wait3A] : memref<5504xf32, #tpu.memory_space<vmem>> -> memref<5504xf32, #tpu.memory_space<vmem>>
      %dma_wait3A_166 = tpu.memref_slice %arg10[%multiple_of3A_25] : memref<1001728xf32, #tpu.memory_space<vmem_shared>> -> memref<5504xf32, #tpu.memory_space<vmem_shared>>
      %dma_wait3A_167 = tpu.memref_slice %arg10[%multiple_of3A_25] : memref<1001728xf32, #tpu.memory_space<vmem_shared>> -> memref<5504xf32, #tpu.memory_space<vmem_shared>>
      %dma_wait3A_168 = arith.constant 0 : i32
      %dma_wait3A_169 = tpu.memref_slice %arg9[%dma_wait3A_168] : memref<5504xf32, #tpu.memory_space<vmem>> -> memref<5504xf32, #tpu.memory_space<vmem>>
      tpu.wait_dma2 semaphore(%run_scoped3A : memref<!tpu.dma_semaphore, #tpu.memory_space<semaphore_mem>>) src(%dma_wait3A_169 : memref<5504xf32, #tpu.memory_space<vmem>>) dst(%dma_wait3A_167 : memref<5504xf32, #tpu.memory_space<vmem_shared>>)
      tpu.yield
    }) : () -> ()
    %add3A_26 = arith.constant 22016 : i32
    %add3A_27 = arith.addi %multiple_of3A, %add3A_26 : i32
    %multiple_of3A_28 = tpu.assume_multiple %add3A_27, 128 : i32
    "tpu.region"() ({
      %run_scoped3A = tpu.sem_alloc : memref<!tpu.dma_semaphore, #tpu.memory_space<semaphore_mem>>
      %dma_start3A = arith.constant 0 : i32
      %dma_start3A_160 = tpu.memref_slice %arg9[%dma_start3A] : memref<5504xf32, #tpu.memory_space<vmem>> -> memref<5504xf32, #tpu.memory_space<vmem>>
      %dma_start3A_161 = tpu.memref_slice %arg10[%multiple_of3A_28] : memref<1001728xf32, #tpu.memory_space<vmem_shared>> -> memref<5504xf32, #tpu.memory_space<vmem_shared>>
      %dma_start3A_162 = tpu.memref_slice %arg10[%multiple_of3A_28] : memref<1001728xf32, #tpu.memory_space<vmem_shared>> -> memref<5504xf32, #tpu.memory_space<vmem_shared>>
      %dma_start3A_163 = arith.constant 0 : i32
      %dma_start3A_164 = tpu.memref_slice %arg9[%dma_start3A_163] : memref<5504xf32, #tpu.memory_space<vmem>> -> memref<5504xf32, #tpu.memory_space<vmem>>
      tpu.enqueue_dma source(%dma_start3A_164 : memref<5504xf32, #tpu.memory_space<vmem>>) target(%dma_start3A_162 : memref<5504xf32, #tpu.memory_space<vmem_shared>>) target_semaphore(%run_scoped3A : memref<!tpu.dma_semaphore, #tpu.memory_space<semaphore_mem>>)
      %dma_wait3A = arith.constant 0 : i32
      %dma_wait3A_165 = tpu.memref_slice %arg9[%dma_wait3A] : memref<5504xf32, #tpu.memory_space<vmem>> -> memref<5504xf32, #tpu.memory_space<vmem>>
      %dma_wait3A_166 = tpu.memref_slice %arg10[%multiple_of3A_28] : memref<1001728xf32, #tpu.memory_space<vmem_shared>> -> memref<5504xf32, #tpu.memory_space<vmem_shared>>
      %dma_wait3A_167 = tpu.memref_slice %arg10[%multiple_of3A_28] : memref<1001728xf32, #tpu.memory_space<vmem_shared>> -> memref<5504xf32, #tpu.memory_space<vmem_shared>>
      %dma_wait3A_168 = arith.constant 0 : i32
      %dma_wait3A_169 = tpu.memref_slice %arg9[%dma_wait3A_168] : memref<5504xf32, #tpu.memory_space<vmem>> -> memref<5504xf32, #tpu.memory_space<vmem>>
      tpu.wait_dma2 semaphore(%run_scoped3A : memref<!tpu.dma_semaphore, #tpu.memory_space<semaphore_mem>>) src(%dma_wait3A_169 : memref<5504xf32, #tpu.memory_space<vmem>>) dst(%dma_wait3A_167 : memref<5504xf32, #tpu.memory_space<vmem_shared>>)
      tpu.yield
    }) : () -> ()
    %add3A_29 = arith.constant 27520 : i32
    %add3A_30 = arith.addi %multiple_of3A, %add3A_29 : i32
    %multiple_of3A_31 = tpu.assume_multiple %add3A_30, 128 : i32
    "tpu.region"() ({
      %run_scoped3A = tpu.sem_alloc : memref<!tpu.dma_semaphore, #tpu.memory_space<semaphore_mem>>
      %dma_start3A = arith.constant 0 : i32
      %dma_start3A_160 = tpu.memref_slice %arg9[%dma_start3A] : memref<5504xf32, #tpu.memory_space<vmem>> -> memref<5504xf32, #tpu.memory_space<vmem>>
      %dma_start3A_161 = tpu.memref_slice %arg10[%multiple_of3A_31] : memref<1001728xf32, #tpu.memory_space<vmem_shared>> -> memref<5504xf32, #tpu.memory_space<vmem_shared>>
      %dma_start3A_162 = tpu.memref_slice %arg10[%multiple_of3A_31] : memref<1001728xf32, #tpu.memory_space<vmem_shared>> -> memref<5504xf32, #tpu.memory_space<vmem_shared>>
      %dma_start3A_163 = arith.constant 0 : i32
      %dma_start3A_164 = tpu.memref_slice %arg9[%dma_start3A_163] : memref<5504xf32, #tpu.memory_space<vmem>> -> memref<5504xf32, #tpu.memory_space<vmem>>
      tpu.enqueue_dma source(%dma_start3A_164 : memref<5504xf32, #tpu.memory_space<vmem>>) target(%dma_start3A_162 : memref<5504xf32, #tpu.memory_space<vmem_shared>>) target_semaphore(%run_scoped3A : memref<!tpu.dma_semaphore, #tpu.memory_space<semaphore_mem>>)
      %dma_wait3A = arith.constant 0 : i32
      %dma_wait3A_165 = tpu.memref_slice %arg9[%dma_wait3A] : memref<5504xf32, #tpu.memory_space<vmem>> -> memref<5504xf32, #tpu.memory_space<vmem>>
      %dma_wait3A_166 = tpu.memref_slice %arg10[%multiple_of3A_31] : memref<1001728xf32, #tpu.memory_space<vmem_shared>> -> memref<5504xf32, #tpu.memory_space<vmem_shared>>
      %dma_wait3A_167 = tpu.memref_slice %arg10[%multiple_of3A_31] : memref<1001728xf32, #tpu.memory_space<vmem_shared>> -> memref<5504xf32, #tpu.memory_space<vmem_shared>>
      %dma_wait3A_168 = arith.constant 0 : i32
      %dma_wait3A_169 = tpu.memref_slice %arg9[%dma_wait3A_168] : memref<5504xf32, #tpu.memory_space<vmem>> -> memref<5504xf32, #tpu.memory_space<vmem>>
      tpu.wait_dma2 semaphore(%run_scoped3A : memref<!tpu.dma_semaphore, #tpu.memory_space<semaphore_mem>>) src(%dma_wait3A_169 : memref<5504xf32, #tpu.memory_space<vmem>>) dst(%dma_wait3A_167 : memref<5504xf32, #tpu.memory_space<vmem_shared>>)
      tpu.yield
    }) : () -> ()
    %add3A_32 = arith.constant 33024 : i32
    %add3A_33 = arith.addi %multiple_of3A, %add3A_32 : i32
    %multiple_of3A_34 = tpu.assume_multiple %add3A_33, 128 : i32
    "tpu.region"() ({
      %run_scoped3A = tpu.sem_alloc : memref<!tpu.dma_semaphore, #tpu.memory_space<semaphore_mem>>
      %dma_start3A = arith.constant 0 : i32
      %dma_start3A_160 = tpu.memref_slice %arg9[%dma_start3A] : memref<5504xf32, #tpu.memory_space<vmem>> -> memref<5504xf32, #tpu.memory_space<vmem>>
      %dma_start3A_161 = tpu.memref_slice %arg10[%multiple_of3A_34] : memref<1001728xf32, #tpu.memory_space<vmem_shared>> -> memref<5504xf32, #tpu.memory_space<vmem_shared>>
      %dma_start3A_162 = tpu.memref_slice %arg10[%multiple_of3A_34] : memref<1001728xf32, #tpu.memory_space<vmem_shared>> -> memref<5504xf32, #tpu.memory_space<vmem_shared>>
      %dma_start3A_163 = arith.constant 0 : i32
      %dma_start3A_164 = tpu.memref_slice %arg9[%dma_start3A_163] : memref<5504xf32, #tpu.memory_space<vmem>> -> memref<5504xf32, #tpu.memory_space<vmem>>
      tpu.enqueue_dma source(%dma_start3A_164 : memref<5504xf32, #tpu.memory_space<vmem>>) target(%dma_start3A_162 : memref<5504xf32, #tpu.memory_space<vmem_shared>>) target_semaphore(%run_scoped3A : memref<!tpu.dma_semaphore, #tpu.memory_space<semaphore_mem>>)
      %dma_wait3A = arith.constant 0 : i32
      %dma_wait3A_165 = tpu.memref_slice %arg9[%dma_wait3A] : memref<5504xf32, #tpu.memory_space<vmem>> -> memref<5504xf32, #tpu.memory_space<vmem>>
      %dma_wait3A_166 = tpu.memref_slice %arg10[%multiple_of3A_34] : memref<1001728xf32, #tpu.memory_space<vmem_shared>> -> memref<5504xf32, #tpu.memory_space<vmem_shared>>
      %dma_wait3A_167 = tpu.memref_slice %arg10[%multiple_of3A_34] : memref<1001728xf32, #tpu.memory_space<vmem_shared>> -> memref<5504xf32, #tpu.memory_space<vmem_shared>>
      %dma_wait3A_168 = arith.constant 0 : i32
      %dma_wait3A_169 = tpu.memref_slice %arg9[%dma_wait3A_168] : memref<5504xf32, #tpu.memory_space<vmem>> -> memref<5504xf32, #tpu.memory_space<vmem>>
      tpu.wait_dma2 semaphore(%run_scoped3A : memref<!tpu.dma_semaphore, #tpu.memory_space<semaphore_mem>>) src(%dma_wait3A_169 : memref<5504xf32, #tpu.memory_space<vmem>>) dst(%dma_wait3A_167 : memref<5504xf32, #tpu.memory_space<vmem_shared>>)
      tpu.yield
    }) : () -> ()
    %add3A_35 = arith.constant 38528 : i32
    %add3A_36 = arith.addi %multiple_of3A, %add3A_35 : i32
    %multiple_of3A_37 = tpu.assume_multiple %add3A_36, 128 : i32
    "tpu.region"() ({
      %run_scoped3A = tpu.sem_alloc : memref<!tpu.dma_semaphore, #tpu.memory_space<semaphore_mem>>
      %dma_start3A = arith.constant 0 : i32
      %dma_start3A_160 = tpu.memref_slice %arg9[%dma_start3A] : memref<5504xf32, #tpu.memory_space<vmem>> -> memref<5504xf32, #tpu.memory_space<vmem>>
      %dma_start3A_161 = tpu.memref_slice %arg10[%multiple_of3A_37] : memref<1001728xf32, #tpu.memory_space<vmem_shared>> -> memref<5504xf32, #tpu.memory_space<vmem_shared>>
      %dma_start3A_162 = tpu.memref_slice %arg10[%multiple_of3A_37] : memref<1001728xf32, #tpu.memory_space<vmem_shared>> -> memref<5504xf32, #tpu.memory_space<vmem_shared>>
      %dma_start3A_163 = arith.constant 0 : i32
      %dma_start3A_164 = tpu.memref_slice %arg9[%dma_start3A_163] : memref<5504xf32, #tpu.memory_space<vmem>> -> memref<5504xf32, #tpu.memory_space<vmem>>
      tpu.enqueue_dma source(%dma_start3A_164 : memref<5504xf32, #tpu.memory_space<vmem>>) target(%dma_start3A_162 : memref<5504xf32, #tpu.memory_space<vmem_shared>>) target_semaphore(%run_scoped3A : memref<!tpu.dma_semaphore, #tpu.memory_space<semaphore_mem>>)
      %dma_wait3A = arith.constant 0 : i32
      %dma_wait3A_165 = tpu.memref_slice %arg9[%dma_wait3A] : memref<5504xf32, #tpu.memory_space<vmem>> -> memref<5504xf32, #tpu.memory_space<vmem>>
      %dma_wait3A_166 = tpu.memref_slice %arg10[%multiple_of3A_37] : memref<1001728xf32, #tpu.memory_space<vmem_shared>> -> memref<5504xf32, #tpu.memory_space<vmem_shared>>
      %dma_wait3A_167 = tpu.memref_slice %arg10[%multiple_of3A_37] : memref<1001728xf32, #tpu.memory_space<vmem_shared>> -> memref<5504xf32, #tpu.memory_space<vmem_shared>>
      %dma_wait3A_168 = arith.constant 0 : i32
      %dma_wait3A_169 = tpu.memref_slice %arg9[%dma_wait3A_168] : memref<5504xf32, #tpu.memory_space<vmem>> -> memref<5504xf32, #tpu.memory_space<vmem>>
      tpu.wait_dma2 semaphore(%run_scoped3A : memref<!tpu.dma_semaphore, #tpu.memory_space<semaphore_mem>>) src(%dma_wait3A_169 : memref<5504xf32, #tpu.memory_space<vmem>>) dst(%dma_wait3A_167 : memref<5504xf32, #tpu.memory_space<vmem_shared>>)
      tpu.yield
    }) : () -> ()
    %add3A_38 = arith.constant 44032 : i32
    %add3A_39 = arith.addi %multiple_of3A, %add3A_38 : i32
    %multiple_of3A_40 = tpu.assume_multiple %add3A_39, 128 : i32
    "tpu.region"() ({
      %run_scoped3A = tpu.sem_alloc : memref<!tpu.dma_semaphore, #tpu.memory_space<semaphore_mem>>
      %dma_start3A = arith.constant 0 : i32
      %dma_start3A_160 = tpu.memref_slice %arg9[%dma_start3A] : memref<5504xf32, #tpu.memory_space<vmem>> -> memref<5504xf32, #tpu.memory_space<vmem>>
      %dma_start3A_161 = tpu.memref_slice %arg10[%multiple_of3A_40] : memref<1001728xf32, #tpu.memory_space<vmem_shared>> -> memref<5504xf32, #tpu.memory_space<vmem_shared>>
      %dma_start3A_162 = tpu.memref_slice %arg10[%multiple_of3A_40] : memref<1001728xf32, #tpu.memory_space<vmem_shared>> -> memref<5504xf32, #tpu.memory_space<vmem_shared>>
      %dma_start3A_163 = arith.constant 0 : i32
      %dma_start3A_164 = tpu.memref_slice %arg9[%dma_start3A_163] : memref<5504xf32, #tpu.memory_space<vmem>> -> memref<5504xf32, #tpu.memory_space<vmem>>
      tpu.enqueue_dma source(%dma_start3A_164 : memref<5504xf32, #tpu.memory_space<vmem>>) target(%dma_start3A_162 : memref<5504xf32, #tpu.memory_space<vmem_shared>>) target_semaphore(%run_scoped3A : memref<!tpu.dma_semaphore, #tpu.memory_space<semaphore_mem>>)
      %dma_wait3A = arith.constant 0 : i32
      %dma_wait3A_165 = tpu.memref_slice %arg9[%dma_wait3A] : memref<5504xf32, #tpu.memory_space<vmem>> -> memref<5504xf32, #tpu.memory_space<vmem>>
      %dma_wait3A_166 = tpu.memref_slice %arg10[%multiple_of3A_40] : memref<1001728xf32, #tpu.memory_space<vmem_shared>> -> memref<5504xf32, #tpu.memory_space<vmem_shared>>
      %dma_wait3A_167 = tpu.memref_slice %arg10[%multiple_of3A_40] : memref<1001728xf32, #tpu.memory_space<vmem_shared>> -> memref<5504xf32, #tpu.memory_space<vmem_shared>>
      %dma_wait3A_168 = arith.constant 0 : i32
      %dma_wait3A_169 = tpu.memref_slice %arg9[%dma_wait3A_168] : memref<5504xf32, #tpu.memory_space<vmem>> -> memref<5504xf32, #tpu.memory_space<vmem>>
      tpu.wait_dma2 semaphore(%run_scoped3A : memref<!tpu.dma_semaphore, #tpu.memory_space<semaphore_mem>>) src(%dma_wait3A_169 : memref<5504xf32, #tpu.memory_space<vmem>>) dst(%dma_wait3A_167 : memref<5504xf32, #tpu.memory_space<vmem_shared>>)
      tpu.yield
    }) : () -> ()
    %add3A_41 = arith.constant 49536 : i32
    %add3A_42 = arith.addi %multiple_of3A, %add3A_41 : i32
    %multiple_of3A_43 = tpu.assume_multiple %add3A_42, 128 : i32
    "tpu.region"() ({
      %run_scoped3A = tpu.sem_alloc : memref<!tpu.dma_semaphore, #tpu.memory_space<semaphore_mem>>
      %dma_start3A = arith.constant 0 : i32
      %dma_start3A_160 = tpu.memref_slice %arg9[%dma_start3A] : memref<5504xf32, #tpu.memory_space<vmem>> -> memref<5504xf32, #tpu.memory_space<vmem>>
      %dma_start3A_161 = tpu.memref_slice %arg10[%multiple_of3A_43] : memref<1001728xf32, #tpu.memory_space<vmem_shared>> -> memref<5504xf32, #tpu.memory_space<vmem_shared>>
      %dma_start3A_162 = tpu.memref_slice %arg10[%multiple_of3A_43] : memref<1001728xf32, #tpu.memory_space<vmem_shared>> -> memref<5504xf32, #tpu.memory_space<vmem_shared>>
      %dma_start3A_163 = arith.constant 0 : i32
      %dma_start3A_164 = tpu.memref_slice %arg9[%dma_start3A_163] : memref<5504xf32, #tpu.memory_space<vmem>> -> memref<5504xf32, #tpu.memory_space<vmem>>
      tpu.enqueue_dma source(%dma_start3A_164 : memref<5504xf32, #tpu.memory_space<vmem>>) target(%dma_start3A_162 : memref<5504xf32, #tpu.memory_space<vmem_shared>>) target_semaphore(%run_scoped3A : memref<!tpu.dma_semaphore, #tpu.memory_space<semaphore_mem>>)
      %dma_wait3A = arith.constant 0 : i32
      %dma_wait3A_165 = tpu.memref_slice %arg9[%dma_wait3A] : memref<5504xf32, #tpu.memory_space<vmem>> -> memref<5504xf32, #tpu.memory_space<vmem>>
      %dma_wait3A_166 = tpu.memref_slice %arg10[%multiple_of3A_43] : memref<1001728xf32, #tpu.memory_space<vmem_shared>> -> memref<5504xf32, #tpu.memory_space<vmem_shared>>
      %dma_wait3A_167 = tpu.memref_slice %arg10[%multiple_of3A_43] : memref<1001728xf32, #tpu.memory_space<vmem_shared>> -> memref<5504xf32, #tpu.memory_space<vmem_shared>>
      %dma_wait3A_168 = arith.constant 0 : i32
      %dma_wait3A_169 = tpu.memref_slice %arg9[%dma_wait3A_168] : memref<5504xf32, #tpu.memory_space<vmem>> -> memref<5504xf32, #tpu.memory_space<vmem>>
      tpu.wait_dma2 semaphore(%run_scoped3A : memref<!tpu.dma_semaphore, #tpu.memory_space<semaphore_mem>>) src(%dma_wait3A_169 : memref<5504xf32, #tpu.memory_space<vmem>>) dst(%dma_wait3A_167 : memref<5504xf32, #tpu.memory_space<vmem_shared>>)
      tpu.yield
    }) : () -> ()
    %add3A_44 = arith.constant 55040 : i32
    %add3A_45 = arith.addi %multiple_of3A, %add3A_44 : i32
    %multiple_of3A_46 = tpu.assume_multiple %add3A_45, 128 : i32
    "tpu.region"() ({
      %run_scoped3A = tpu.sem_alloc : memref<!tpu.dma_semaphore, #tpu.memory_space<semaphore_mem>>
      %dma_start3A = arith.constant 0 : i32
      %dma_start3A_160 = tpu.memref_slice %arg9[%dma_start3A] : memref<5504xf32, #tpu.memory_space<vmem>> -> memref<5504xf32, #tpu.memory_space<vmem>>
      %dma_start3A_161 = tpu.memref_slice %arg10[%multiple_of3A_46] : memref<1001728xf32, #tpu.memory_space<vmem_shared>> -> memref<5504xf32, #tpu.memory_space<vmem_shared>>
      %dma_start3A_162 = tpu.memref_slice %arg10[%multiple_of3A_46] : memref<1001728xf32, #tpu.memory_space<vmem_shared>> -> memref<5504xf32, #tpu.memory_space<vmem_shared>>
      %dma_start3A_163 = arith.constant 0 : i32
      %dma_start3A_164 = tpu.memref_slice %arg9[%dma_start3A_163] : memref<5504xf32, #tpu.memory_space<vmem>> -> memref<5504xf32, #tpu.memory_space<vmem>>
      tpu.enqueue_dma source(%dma_start3A_164 : memref<5504xf32, #tpu.memory_space<vmem>>) target(%dma_start3A_162 : memref<5504xf32, #tpu.memory_space<vmem_shared>>) target_semaphore(%run_scoped3A : memref<!tpu.dma_semaphore, #tpu.memory_space<semaphore_mem>>)
      %dma_wait3A = arith.constant 0 : i32
      %dma_wait3A_165 = tpu.memref_slice %arg9[%dma_wait3A] : memref<5504xf32, #tpu.memory_space<vmem>> -> memref<5504xf32, #tpu.memory_space<vmem>>
      %dma_wait3A_166 = tpu.memref_slice %arg10[%multiple_of3A_46] : memref<1001728xf32, #tpu.memory_space<vmem_shared>> -> memref<5504xf32, #tpu.memory_space<vmem_shared>>
      %dma_wait3A_167 = tpu.memref_slice %arg10[%multiple_of3A_46] : memref<1001728xf32, #tpu.memory_space<vmem_shared>> -> memref<5504xf32, #tpu.memory_space<vmem_shared>>
      %dma_wait3A_168 = arith.constant 0 : i32
      %dma_wait3A_169 = tpu.memref_slice %arg9[%dma_wait3A_168] : memref<5504xf32, #tpu.memory_space<vmem>> -> memref<5504xf32, #tpu.memory_space<vmem>>
      tpu.wait_dma2 semaphore(%run_scoped3A : memref<!tpu.dma_semaphore, #tpu.memory_space<semaphore_mem>>) src(%dma_wait3A_169 : memref<5504xf32, #tpu.memory_space<vmem>>) dst(%dma_wait3A_167 : memref<5504xf32, #tpu.memory_space<vmem_shared>>)
      tpu.yield
    }) : () -> ()
    %add3A_47 = arith.constant 60544 : i32
    %add3A_48 = arith.addi %multiple_of3A, %add3A_47 : i32
    %multiple_of3A_49 = tpu.assume_multiple %add3A_48, 128 : i32
    "tpu.region"() ({
      %run_scoped3A = tpu.sem_alloc : memref<!tpu.dma_semaphore, #tpu.memory_space<semaphore_mem>>
      %dma_start3A = arith.constant 0 : i32
      %dma_start3A_160 = tpu.memref_slice %arg9[%dma_start3A] : memref<5504xf32, #tpu.memory_space<vmem>> -> memref<2048xf32, #tpu.memory_space<vmem>>
      %dma_start3A_161 = tpu.memref_slice %arg10[%multiple_of3A_49] : memref<1001728xf32, #tpu.memory_space<vmem_shared>> -> memref<2048xf32, #tpu.memory_space<vmem_shared>>
      %dma_start3A_162 = tpu.memref_slice %arg10[%multiple_of3A_49] : memref<1001728xf32, #tpu.memory_space<vmem_shared>> -> memref<2048xf32, #tpu.memory_space<vmem_shared>>
      %dma_start3A_163 = arith.constant 0 : i32
      %dma_start3A_164 = tpu.memref_slice %arg9[%dma_start3A_163] : memref<5504xf32, #tpu.memory_space<vmem>> -> memref<2048xf32, #tpu.memory_space<vmem>>
      tpu.enqueue_dma source(%dma_start3A_164 : memref<2048xf32, #tpu.memory_space<vmem>>) target(%dma_start3A_162 : memref<2048xf32, #tpu.memory_space<vmem_shared>>) target_semaphore(%run_scoped3A : memref<!tpu.dma_semaphore, #tpu.memory_space<semaphore_mem>>)
      %dma_wait3A = arith.constant 0 : i32
      %dma_wait3A_165 = tpu.memref_slice %arg9[%dma_wait3A] : memref<5504xf32, #tpu.memory_space<vmem>> -> memref<2048xf32, #tpu.memory_space<vmem>>
      %dma_wait3A_166 = tpu.memref_slice %arg10[%multiple_of3A_49] : memref<1001728xf32, #tpu.memory_space<vmem_shared>> -> memref<2048xf32, #tpu.memory_space<vmem_shared>>
      %dma_wait3A_167 = tpu.memref_slice %arg10[%multiple_of3A_49] : memref<1001728xf32, #tpu.memory_space<vmem_shared>> -> memref<2048xf32, #tpu.memory_space<vmem_shared>>
      %dma_wait3A_168 = arith.constant 0 : i32
      %dma_wait3A_169 = tpu.memref_slice %arg9[%dma_wait3A_168] : memref<5504xf32, #tpu.memory_space<vmem>> -> memref<2048xf32, #tpu.memory_space<vmem>>
      tpu.wait_dma2 semaphore(%run_scoped3A : memref<!tpu.dma_semaphore, #tpu.memory_space<semaphore_mem>>) src(%dma_wait3A_169 : memref<2048xf32, #tpu.memory_space<vmem>>) dst(%dma_wait3A_167 : memref<2048xf32, #tpu.memory_space<vmem_shared>>)
      tpu.yield
    }) : () -> ()
    %mul3A_50 = arith.constant 16 : i32
    %mul3A_51 = arith.muli %arg1, %mul3A_50 : i32
    %add3A_52 = arith.constant 1001472 : i32
    %add3A_53 = arith.addi %add3A_52, %mul3A_51 : i32
    %iota3A = tpu.iota {dimensions = array<i32: 0>} : vector<16xi32>
    %add3A_54 = vector.broadcast %add3A_53 : i32 to vector<16xi32>
    %add3A_55 = arith.addi %add3A_54, %iota3A : vector<16xi32>
    %scan3A_56 = arith.constant 0 : i32
    %scan3A_57 = arith.constant 0 : i32
    %scan3A_58 = arith.constant 784 : i32
    %scan3A_59 = arith.addi %scan3A_57, %scan3A_58 : i32
    %scan3A_60 = arith.constant 1 : i32
    scf.for %scan3A_160 = %scan3A_57 to %scan3A_59 step %scan3A_60  : i32 {
      %mul3A_161 = arith.constant 16 : i32
      %mul3A_162 = arith.muli %scan3A_160, %mul3A_161 : i32
      %multiple_of3A_163 = tpu.assume_multiple %mul3A_162, 16 : i32
      %mul3A_164 = arith.constant 16 : i32
      %mul3A_165 = arith.muli %scan3A_160, %mul3A_164 : i32
      %add3A_166 = arith.constant 0 : i32
      %add3A_167 = arith.addi %add3A_166, %mul3A_165 : i32
      %multiple_of3A_168 = tpu.assume_multiple %add3A_167, 16 : i32
      %get3A = arith.index_cast %multiple_of3A_168 : i32 to index
      %get3A_169 = tpu.vector_load %arg5[%get3A] {strides = array<i32>} : memref<25088xi32, #tpu.memory_space<vmem>>, vector<16xi32>,
      %get3A_170 = vector.shape_cast %get3A_169 : vector<16xi32> to vector<16xi32>
      %sub3A = vector.broadcast %select_n3A : i32 to vector<16xi32>
      %sub3A_171 = arith.subi %get3A_170, %sub3A : vector<16xi32>
      %ge3A = arith.constant 0 : i32
      %ge3A_172 = vector.broadcast %ge3A : i32 to vector<16xi32>
      %ge3A_173 = arith.cmpi sge, %sub3A_171, %ge3A_172 : vector<16xi32>
      %lt3A_174 = vector.broadcast %select_n3A_12 : i32 to vector<16xi32>
      %lt3A_175 = arith.cmpi slt, %sub3A_171, %lt3A_174 : vector<16xi32>
      %and3A_176 = arith.andi %ge3A_173, %lt3A_175 : vector<16xi1>
      %select_n3A_177 = arith.select %and3A_176, %sub3A_171, %add3A_55 : vector<16xi1>, vector<16xi32>
      %swap3A = arith.index_cast %multiple_of3A_163 : i32 to index
      %swap3A_178 = tpu.vector_load %arg6[%swap3A] {strides = array<i32>} : memref<12544xi32, #tpu.memory_space<vmem>>, vector<16xi32>,
      %swap3A_179 = vector.shape_cast %swap3A_178 : vector<16xi32> to vector<16xi32>
      %swap3A_180 = vector.shape_cast %select_n3A_177 : vector<16xi32> to vector<16xi32>
      tpu.vector_store %arg6[%swap3A], %swap3A_180 {strides = array<i32>} : memref<12544xi32, #tpu.memory_space<vmem>>, vector<16xi32>,
    }
    %scan3A_61 = arith.constant 784 : i32
    %mul3A_62 = arith.constant 16 : i32
    %mul3A_63 = arith.muli %arg1, %mul3A_62 : i32
    %add3A_64 = arith.constant 1001472 : i32
    %add3A_65 = arith.addi %add3A_64, %mul3A_63 : i32
    %iota3A_66 = tpu.iota {dimensions = array<i32: 0>} : vector<16xi32>
    %add3A_67 = vector.broadcast %add3A_65 : i32 to vector<16xi32>
    %add3A_68 = arith.addi %add3A_67, %iota3A_66 : vector<16xi32>
    %scan3A_69 = arith.constant 0 : i32
    %scan3A_70 = arith.constant 0 : i32
    %scan3A_71 = arith.constant 784 : i32
    %scan3A_72 = arith.addi %scan3A_70, %scan3A_71 : i32
    %scan3A_73 = arith.constant 1 : i32
    scf.for %scan3A_160 = %scan3A_70 to %scan3A_72 step %scan3A_73  : i32 {
      %mul3A_161 = arith.constant 16 : i32
      %mul3A_162 = arith.muli %scan3A_160, %mul3A_161 : i32
      %multiple_of3A_163 = tpu.assume_multiple %mul3A_162, 16 : i32
      %mul3A_164 = arith.constant 16 : i32
      %mul3A_165 = arith.muli %scan3A_160, %mul3A_164 : i32
      %add3A_166 = arith.constant 12544 : i32
      %add3A_167 = arith.addi %add3A_166, %mul3A_165 : i32
      %multiple_of3A_168 = tpu.assume_multiple %add3A_167, 16 : i32
      %get3A = arith.index_cast %multiple_of3A_168 : i32 to index
      %get3A_169 = tpu.vector_load %arg5[%get3A] {strides = array<i32>} : memref<25088xi32, #tpu.memory_space<vmem>>, vector<16xi32>,
      %get3A_170 = vector.shape_cast %get3A_169 : vector<16xi32> to vector<16xi32>
      %sub3A = vector.broadcast %select_n3A : i32 to vector<16xi32>
      %sub3A_171 = arith.subi %get3A_170, %sub3A : vector<16xi32>
      %ge3A = arith.constant 0 : i32
      %ge3A_172 = vector.broadcast %ge3A : i32 to vector<16xi32>
      %ge3A_173 = arith.cmpi sge, %sub3A_171, %ge3A_172 : vector<16xi32>
      %lt3A_174 = vector.broadcast %select_n3A_12 : i32 to vector<16xi32>
      %lt3A_175 = arith.cmpi slt, %sub3A_171, %lt3A_174 : vector<16xi32>
      %and3A_176 = arith.andi %ge3A_173, %lt3A_175 : vector<16xi1>
      %select_n3A_177 = arith.select %and3A_176, %sub3A_171, %add3A_68 : vector<16xi1>, vector<16xi32>
      %swap3A = arith.index_cast %multiple_of3A_163 : i32 to index
      %swap3A_178 = tpu.vector_load %arg7[%swap3A] {strides = array<i32>} : memref<12544xi32, #tpu.memory_space<vmem>>, vector<16xi32>,
      %swap3A_179 = vector.shape_cast %swap3A_178 : vector<16xi32> to vector<16xi32>
      %swap3A_180 = vector.shape_cast %select_n3A_177 : vector<16xi32> to vector<16xi32>
      tpu.vector_store %arg7[%swap3A], %swap3A_180 {strides = array<i32>} : memref<12544xi32, #tpu.memory_space<vmem>>, vector<16xi32>,
    }
    %scan3A_74 = arith.constant 784 : i32
    %barrier3A = arith.constant 0 : index
    tpu.barrier barrier_id(%barrier3A)
    "tpu.region"() ({
      %run_scoped3A = tpu.sem_alloc : memref<!tpu.dma_semaphore, #tpu.memory_space<semaphore_mem>>
      %dma_start3A = arith.constant 0 : i32
      %dma_start3A_160 = tpu.memref_slice %arg10[%dma_start3A] : memref<1001728xf32, #tpu.memory_space<vmem_shared>> -> memref<1001728xf32, #tpu.memory_space<vmem_shared>>
      tpu.enqueue_indirect_dma source(%arg8 : memref<12544xf32, #tpu.memory_space<vmem>>) target(%dma_start3A_160 : memref<1001728xf32, #tpu.memory_space<vmem_shared>>) offsets(%arg6 : memref<12544xi32, #tpu.memory_space<vmem>>) semaphore(%run_scoped3A : memref<!tpu.dma_semaphore, #tpu.memory_space<semaphore_mem>>) {add = true}
      %dma_wait3A = arith.constant 0 : i32
      %dma_wait3A_161 = tpu.memref_slice %arg10[%dma_wait3A] : memref<1001728xf32, #tpu.memory_space<vmem_shared>> -> memref<1001728xf32, #tpu.memory_space<vmem_shared>>
      tpu.wait_indirect_dma semaphore(%run_scoped3A : memref<!tpu.dma_semaphore, #tpu.memory_space<semaphore_mem>>) src(%arg8 : memref<12544xf32, #tpu.memory_space<vmem>>) dst(%dma_wait3A_161 : memref<1001728xf32, #tpu.memory_space<vmem_shared>>)
      tpu.yield
    }) : () -> ()
    "tpu.region"() ({
      %run_scoped3A = tpu.sem_alloc : memref<!tpu.dma_semaphore, #tpu.memory_space<semaphore_mem>>
      %dma_start3A = arith.constant 0 : i32
      %dma_start3A_160 = tpu.memref_slice %arg10[%dma_start3A] : memref<1001728xf32, #tpu.memory_space<vmem_shared>> -> memref<1001728xf32, #tpu.memory_space<vmem_shared>>
      tpu.enqueue_indirect_dma source(%arg8 : memref<12544xf32, #tpu.memory_space<vmem>>) target(%dma_start3A_160 : memref<1001728xf32, #tpu.memory_space<vmem_shared>>) offsets(%arg7 : memref<12544xi32, #tpu.memory_space<vmem>>) semaphore(%run_scoped3A : memref<!tpu.dma_semaphore, #tpu.memory_space<semaphore_mem>>) {add = true}
      %dma_wait3A = arith.constant 0 : i32
      %dma_wait3A_161 = tpu.memref_slice %arg10[%dma_wait3A] : memref<1001728xf32, #tpu.memory_space<vmem_shared>> -> memref<1001728xf32, #tpu.memory_space<vmem_shared>>
      tpu.wait_indirect_dma semaphore(%run_scoped3A : memref<!tpu.dma_semaphore, #tpu.memory_space<semaphore_mem>>) src(%arg8 : memref<12544xf32, #tpu.memory_space<vmem>>) dst(%dma_wait3A_161 : memref<1001728xf32, #tpu.memory_space<vmem_shared>>)
      tpu.yield
    }) : () -> ()
    %barrier3A_75 = arith.constant 0 : index
    tpu.barrier barrier_id(%barrier3A_75)
    %mul3A_76 = arith.constant 62592 : i32
    %mul3A_77 = arith.muli %arg1, %mul3A_76 : i32
    %multiple_of3A_78 = tpu.assume_multiple %mul3A_77, 128 : i32
    %mul3A_79 = arith.constant 62592 : i32
    %mul3A_80 = arith.muli %arg1, %mul3A_79 : i32
    %add3A_81 = arith.addi %select_n3A, %mul3A_80 : i32
    %multiple_of3A_82 = tpu.assume_multiple %add3A_81, 128 : i32
    "tpu.region"() ({
      %run_scoped3A = tpu.sem_alloc : memref<!tpu.dma_semaphore, #tpu.memory_space<semaphore_mem>>
      %dma_start3A = tpu.memref_slice %arg4[%multiple_of3A_82] : memref<4000000xf32, #tpu.memory_space<hbm>> -> memref<62592xf32, #tpu.memory_space<hbm>>
      %dma_start3A_160 = tpu.memref_slice %arg10[%multiple_of3A_78] : memref<1001728xf32, #tpu.memory_space<vmem_shared>> -> memref<62592xf32, #tpu.memory_space<vmem_shared>>
      tpu.enqueue_dma source(%dma_start3A_160 : memref<62592xf32, #tpu.memory_space<vmem_shared>>) target(%dma_start3A : memref<62592xf32, #tpu.memory_space<hbm>>) target_semaphore(%run_scoped3A : memref<!tpu.dma_semaphore, #tpu.memory_space<semaphore_mem>>)
      %dma_wait3A = tpu.memref_slice %arg4[%multiple_of3A_82] : memref<4000000xf32, #tpu.memory_space<hbm>> -> memref<62592xf32, #tpu.memory_space<hbm>>
      %dma_wait3A_161 = tpu.memref_slice %arg10[%multiple_of3A_78] : memref<1001728xf32, #tpu.memory_space<vmem_shared>> -> memref<62592xf32, #tpu.memory_space<vmem_shared>>
      tpu.wait_dma2 semaphore(%run_scoped3A : memref<!tpu.dma_semaphore, #tpu.memory_space<semaphore_mem>>) src(%dma_wait3A_161 : memref<62592xf32, #tpu.memory_space<vmem_shared>>) dst(%dma_wait3A : memref<62592xf32, #tpu.memory_space<hbm>>)
      tpu.yield
    }) : () -> ()
    %barrier3A_83 = arith.constant 0 : index
    tpu.barrier barrier_id(%barrier3A_83)
    %eq3A_84 = arith.constant 0 : i32
    %eq3A_85 = arith.cmpi eq, %arg0, %eq3A_84 : i32
    %jit3A_86 = arith.constant 2002944 : i32
    %jit3A_87 = arith.constant 3004416 : i32
    %select_n3A_88 = arith.select %eq3A_85, %jit3A_86, %jit3A_87 : i32
    %eq3A_89 = arith.constant 0 : i32
    %eq3A_90 = arith.cmpi eq, %arg0, %eq3A_89 : i32
    %jit3A_91 = arith.constant 1001472 : i32
    %jit3A_92 = arith.constant 995584 : i32
    %select_n3A_93 = arith.select %eq3A_90, %jit3A_91, %jit3A_92 : i32
    %eq3A_94 = arith.constant 0 : i32
    %eq3A_95 = arith.cmpi eq, %arg0, %eq3A_94 : i32
    %convert_element_type3A = arith.extui %eq3A_95 : i1 to i32
    %cond3A = arith.constant 0 : i32
    %cond3A_96 = arith.cmpi ne, %convert_element_type3A, %cond3A : i32
    scf.if %cond3A_96 {
      %mul3A_160 = arith.constant 62592 : i32
      %mul3A_161 = arith.muli %arg1, %mul3A_160 : i32
      %multiple_of3A_162 = tpu.assume_multiple %mul3A_161, 128 : i32
      %add3A_163 = arith.constant 0 : i32
      %add3A_164 = arith.addi %multiple_of3A_162, %add3A_163 : i32
      %multiple_of3A_165 = tpu.assume_multiple %add3A_164, 128 : i32
      "tpu.region"() ({
        %run_scoped3A = tpu.sem_alloc : memref<!tpu.dma_semaphore, #tpu.memory_space<semaphore_mem>>
        %dma_start3A = arith.constant 0 : i32
        %dma_start3A_199 = tpu.memref_slice %arg9[%dma_start3A] : memref<5504xf32, #tpu.memory_space<vmem>> -> memref<5504xf32, #tpu.memory_space<vmem>>
        %dma_start3A_200 = tpu.memref_slice %arg10[%multiple_of3A_165] : memref<1001728xf32, #tpu.memory_space<vmem_shared>> -> memref<5504xf32, #tpu.memory_space<vmem_shared>>
        %dma_start3A_201 = tpu.memref_slice %arg10[%multiple_of3A_165] : memref<1001728xf32, #tpu.memory_space<vmem_shared>> -> memref<5504xf32, #tpu.memory_space<vmem_shared>>
        %dma_start3A_202 = arith.constant 0 : i32
        %dma_start3A_203 = tpu.memref_slice %arg9[%dma_start3A_202] : memref<5504xf32, #tpu.memory_space<vmem>> -> memref<5504xf32, #tpu.memory_space<vmem>>
        tpu.enqueue_dma source(%dma_start3A_203 : memref<5504xf32, #tpu.memory_space<vmem>>) target(%dma_start3A_201 : memref<5504xf32, #tpu.memory_space<vmem_shared>>) target_semaphore(%run_scoped3A : memref<!tpu.dma_semaphore, #tpu.memory_space<semaphore_mem>>)
        %dma_wait3A = arith.constant 0 : i32
        %dma_wait3A_204 = tpu.memref_slice %arg9[%dma_wait3A] : memref<5504xf32, #tpu.memory_space<vmem>> -> memref<5504xf32, #tpu.memory_space<vmem>>
        %dma_wait3A_205 = tpu.memref_slice %arg10[%multiple_of3A_165] : memref<1001728xf32, #tpu.memory_space<vmem_shared>> -> memref<5504xf32, #tpu.memory_space<vmem_shared>>
        %dma_wait3A_206 = tpu.memref_slice %arg10[%multiple_of3A_165] : memref<1001728xf32, #tpu.memory_space<vmem_shared>> -> memref<5504xf32, #tpu.memory_space<vmem_shared>>
        %dma_wait3A_207 = arith.constant 0 : i32
        %dma_wait3A_208 = tpu.memref_slice %arg9[%dma_wait3A_207] : memref<5504xf32, #tpu.memory_space<vmem>> -> memref<5504xf32, #tpu.memory_space<vmem>>
        tpu.wait_dma2 semaphore(%run_scoped3A : memref<!tpu.dma_semaphore, #tpu.memory_space<semaphore_mem>>) src(%dma_wait3A_208 : memref<5504xf32, #tpu.memory_space<vmem>>) dst(%dma_wait3A_206 : memref<5504xf32, #tpu.memory_space<vmem_shared>>)
        tpu.yield
      }) : () -> ()
      %add3A_166 = arith.constant 5504 : i32
      %add3A_167 = arith.addi %multiple_of3A_162, %add3A_166 : i32
      %multiple_of3A_168 = tpu.assume_multiple %add3A_167, 128 : i32
      "tpu.region"() ({
        %run_scoped3A = tpu.sem_alloc : memref<!tpu.dma_semaphore, #tpu.memory_space<semaphore_mem>>
        %dma_start3A = arith.constant 0 : i32
        %dma_start3A_199 = tpu.memref_slice %arg9[%dma_start3A] : memref<5504xf32, #tpu.memory_space<vmem>> -> memref<5504xf32, #tpu.memory_space<vmem>>
        %dma_start3A_200 = tpu.memref_slice %arg10[%multiple_of3A_168] : memref<1001728xf32, #tpu.memory_space<vmem_shared>> -> memref<5504xf32, #tpu.memory_space<vmem_shared>>
        %dma_start3A_201 = tpu.memref_slice %arg10[%multiple_of3A_168] : memref<1001728xf32, #tpu.memory_space<vmem_shared>> -> memref<5504xf32, #tpu.memory_space<vmem_shared>>
        %dma_start3A_202 = arith.constant 0 : i32
        %dma_start3A_203 = tpu.memref_slice %arg9[%dma_start3A_202] : memref<5504xf32, #tpu.memory_space<vmem>> -> memref<5504xf32, #tpu.memory_space<vmem>>
        tpu.enqueue_dma source(%dma_start3A_203 : memref<5504xf32, #tpu.memory_space<vmem>>) target(%dma_start3A_201 : memref<5504xf32, #tpu.memory_space<vmem_shared>>) target_semaphore(%run_scoped3A : memref<!tpu.dma_semaphore, #tpu.memory_space<semaphore_mem>>)
        %dma_wait3A = arith.constant 0 : i32
        %dma_wait3A_204 = tpu.memref_slice %arg9[%dma_wait3A] : memref<5504xf32, #tpu.memory_space<vmem>> -> memref<5504xf32, #tpu.memory_space<vmem>>
        %dma_wait3A_205 = tpu.memref_slice %arg10[%multiple_of3A_168] : memref<1001728xf32, #tpu.memory_space<vmem_shared>> -> memref<5504xf32, #tpu.memory_space<vmem_shared>>
        %dma_wait3A_206 = tpu.memref_slice %arg10[%multiple_of3A_168] : memref<1001728xf32, #tpu.memory_space<vmem_shared>> -> memref<5504xf32, #tpu.memory_space<vmem_shared>>
        %dma_wait3A_207 = arith.constant 0 : i32
        %dma_wait3A_208 = tpu.memref_slice %arg9[%dma_wait3A_207] : memref<5504xf32, #tpu.memory_space<vmem>> -> memref<5504xf32, #tpu.memory_space<vmem>>
        tpu.wait_dma2 semaphore(%run_scoped3A : memref<!tpu.dma_semaphore, #tpu.memory_space<semaphore_mem>>) src(%dma_wait3A_208 : memref<5504xf32, #tpu.memory_space<vmem>>) dst(%dma_wait3A_206 : memref<5504xf32, #tpu.memory_space<vmem_shared>>)
        tpu.yield
      }) : () -> ()
      %add3A_169 = arith.constant 11008 : i32
      %add3A_170 = arith.addi %multiple_of3A_162, %add3A_169 : i32
      %multiple_of3A_171 = tpu.assume_multiple %add3A_170, 128 : i32
      "tpu.region"() ({
        %run_scoped3A = tpu.sem_alloc : memref<!tpu.dma_semaphore, #tpu.memory_space<semaphore_mem>>
        %dma_start3A = arith.constant 0 : i32
        %dma_start3A_199 = tpu.memref_slice %arg9[%dma_start3A] : memref<5504xf32, #tpu.memory_space<vmem>> -> memref<5504xf32, #tpu.memory_space<vmem>>
        %dma_start3A_200 = tpu.memref_slice %arg10[%multiple_of3A_171] : memref<1001728xf32, #tpu.memory_space<vmem_shared>> -> memref<5504xf32, #tpu.memory_space<vmem_shared>>
        %dma_start3A_201 = tpu.memref_slice %arg10[%multiple_of3A_171] : memref<1001728xf32, #tpu.memory_space<vmem_shared>> -> memref<5504xf32, #tpu.memory_space<vmem_shared>>
        %dma_start3A_202 = arith.constant 0 : i32
        %dma_start3A_203 = tpu.memref_slice %arg9[%dma_start3A_202] : memref<5504xf32, #tpu.memory_space<vmem>> -> memref<5504xf32, #tpu.memory_space<vmem>>
        tpu.enqueue_dma source(%dma_start3A_203 : memref<5504xf32, #tpu.memory_space<vmem>>) target(%dma_start3A_201 : memref<5504xf32, #tpu.memory_space<vmem_shared>>) target_semaphore(%run_scoped3A : memref<!tpu.dma_semaphore, #tpu.memory_space<semaphore_mem>>)
        %dma_wait3A = arith.constant 0 : i32
        %dma_wait3A_204 = tpu.memref_slice %arg9[%dma_wait3A] : memref<5504xf32, #tpu.memory_space<vmem>> -> memref<5504xf32, #tpu.memory_space<vmem>>
        %dma_wait3A_205 = tpu.memref_slice %arg10[%multiple_of3A_171] : memref<1001728xf32, #tpu.memory_space<vmem_shared>> -> memref<5504xf32, #tpu.memory_space<vmem_shared>>
        %dma_wait3A_206 = tpu.memref_slice %arg10[%multiple_of3A_171] : memref<1001728xf32, #tpu.memory_space<vmem_shared>> -> memref<5504xf32, #tpu.memory_space<vmem_shared>>
        %dma_wait3A_207 = arith.constant 0 : i32
        %dma_wait3A_208 = tpu.memref_slice %arg9[%dma_wait3A_207] : memref<5504xf32, #tpu.memory_space<vmem>> -> memref<5504xf32, #tpu.memory_space<vmem>>
        tpu.wait_dma2 semaphore(%run_scoped3A : memref<!tpu.dma_semaphore, #tpu.memory_space<semaphore_mem>>) src(%dma_wait3A_208 : memref<5504xf32, #tpu.memory_space<vmem>>) dst(%dma_wait3A_206 : memref<5504xf32, #tpu.memory_space<vmem_shared>>)
        tpu.yield
      }) : () -> ()
      %add3A_172 = arith.constant 16512 : i32
      %add3A_173 = arith.addi %multiple_of3A_162, %add3A_172 : i32
      %multiple_of3A_174 = tpu.assume_multiple %add3A_173, 128 : i32
      "tpu.region"() ({
        %run_scoped3A = tpu.sem_alloc : memref<!tpu.dma_semaphore, #tpu.memory_space<semaphore_mem>>
        %dma_start3A = arith.constant 0 : i32
        %dma_start3A_199 = tpu.memref_slice %arg9[%dma_start3A] : memref<5504xf32, #tpu.memory_space<vmem>> -> memref<5504xf32, #tpu.memory_space<vmem>>
        %dma_start3A_200 = tpu.memref_slice %arg10[%multiple_of3A_174] : memref<1001728xf32, #tpu.memory_space<vmem_shared>> -> memref<5504xf32, #tpu.memory_space<vmem_shared>>
        %dma_start3A_201 = tpu.memref_slice %arg10[%multiple_of3A_174] : memref<1001728xf32, #tpu.memory_space<vmem_shared>> -> memref<5504xf32, #tpu.memory_space<vmem_shared>>
        %dma_start3A_202 = arith.constant 0 : i32
        %dma_start3A_203 = tpu.memref_slice %arg9[%dma_start3A_202] : memref<5504xf32, #tpu.memory_space<vmem>> -> memref<5504xf32, #tpu.memory_space<vmem>>
        tpu.enqueue_dma source(%dma_start3A_203 : memref<5504xf32, #tpu.memory_space<vmem>>) target(%dma_start3A_201 : memref<5504xf32, #tpu.memory_space<vmem_shared>>) target_semaphore(%run_scoped3A : memref<!tpu.dma_semaphore, #tpu.memory_space<semaphore_mem>>)
        %dma_wait3A = arith.constant 0 : i32
        %dma_wait3A_204 = tpu.memref_slice %arg9[%dma_wait3A] : memref<5504xf32, #tpu.memory_space<vmem>> -> memref<5504xf32, #tpu.memory_space<vmem>>
        %dma_wait3A_205 = tpu.memref_slice %arg10[%multiple_of3A_174] : memref<1001728xf32, #tpu.memory_space<vmem_shared>> -> memref<5504xf32, #tpu.memory_space<vmem_shared>>
        %dma_wait3A_206 = tpu.memref_slice %arg10[%multiple_of3A_174] : memref<1001728xf32, #tpu.memory_space<vmem_shared>> -> memref<5504xf32, #tpu.memory_space<vmem_shared>>
        %dma_wait3A_207 = arith.constant 0 : i32
        %dma_wait3A_208 = tpu.memref_slice %arg9[%dma_wait3A_207] : memref<5504xf32, #tpu.memory_space<vmem>> -> memref<5504xf32, #tpu.memory_space<vmem>>
        tpu.wait_dma2 semaphore(%run_scoped3A : memref<!tpu.dma_semaphore, #tpu.memory_space<semaphore_mem>>) src(%dma_wait3A_208 : memref<5504xf32, #tpu.memory_space<vmem>>) dst(%dma_wait3A_206 : memref<5504xf32, #tpu.memory_space<vmem_shared>>)
        tpu.yield
      }) : () -> ()
      %add3A_175 = arith.constant 22016 : i32
      %add3A_176 = arith.addi %multiple_of3A_162, %add3A_175 : i32
      %multiple_of3A_177 = tpu.assume_multiple %add3A_176, 128 : i32
      "tpu.region"() ({
        %run_scoped3A = tpu.sem_alloc : memref<!tpu.dma_semaphore, #tpu.memory_space<semaphore_mem>>
        %dma_start3A = arith.constant 0 : i32
        %dma_start3A_199 = tpu.memref_slice %arg9[%dma_start3A] : memref<5504xf32, #tpu.memory_space<vmem>> -> memref<5504xf32, #tpu.memory_space<vmem>>
        %dma_start3A_200 = tpu.memref_slice %arg10[%multiple_of3A_177] : memref<1001728xf32, #tpu.memory_space<vmem_shared>> -> memref<5504xf32, #tpu.memory_space<vmem_shared>>
        %dma_start3A_201 = tpu.memref_slice %arg10[%multiple_of3A_177] : memref<1001728xf32, #tpu.memory_space<vmem_shared>> -> memref<5504xf32, #tpu.memory_space<vmem_shared>>
        %dma_start3A_202 = arith.constant 0 : i32
        %dma_start3A_203 = tpu.memref_slice %arg9[%dma_start3A_202] : memref<5504xf32, #tpu.memory_space<vmem>> -> memref<5504xf32, #tpu.memory_space<vmem>>
        tpu.enqueue_dma source(%dma_start3A_203 : memref<5504xf32, #tpu.memory_space<vmem>>) target(%dma_start3A_201 : memref<5504xf32, #tpu.memory_space<vmem_shared>>) target_semaphore(%run_scoped3A : memref<!tpu.dma_semaphore, #tpu.memory_space<semaphore_mem>>)
        %dma_wait3A = arith.constant 0 : i32
        %dma_wait3A_204 = tpu.memref_slice %arg9[%dma_wait3A] : memref<5504xf32, #tpu.memory_space<vmem>> -> memref<5504xf32, #tpu.memory_space<vmem>>
        %dma_wait3A_205 = tpu.memref_slice %arg10[%multiple_of3A_177] : memref<1001728xf32, #tpu.memory_space<vmem_shared>> -> memref<5504xf32, #tpu.memory_space<vmem_shared>>
        %dma_wait3A_206 = tpu.memref_slice %arg10[%multiple_of3A_177] : memref<1001728xf32, #tpu.memory_space<vmem_shared>> -> memref<5504xf32, #tpu.memory_space<vmem_shared>>
        %dma_wait3A_207 = arith.constant 0 : i32
        %dma_wait3A_208 = tpu.memref_slice %arg9[%dma_wait3A_207] : memref<5504xf32, #tpu.memory_space<vmem>> -> memref<5504xf32, #tpu.memory_space<vmem>>
        tpu.wait_dma2 semaphore(%run_scoped3A : memref<!tpu.dma_semaphore, #tpu.memory_space<semaphore_mem>>) src(%dma_wait3A_208 : memref<5504xf32, #tpu.memory_space<vmem>>) dst(%dma_wait3A_206 : memref<5504xf32, #tpu.memory_space<vmem_shared>>)
        tpu.yield
      }) : () -> ()
      %add3A_178 = arith.constant 27520 : i32
      %add3A_179 = arith.addi %multiple_of3A_162, %add3A_178 : i32
      %multiple_of3A_180 = tpu.assume_multiple %add3A_179, 128 : i32
      "tpu.region"() ({
        %run_scoped3A = tpu.sem_alloc : memref<!tpu.dma_semaphore, #tpu.memory_space<semaphore_mem>>
        %dma_start3A = arith.constant 0 : i32
        %dma_start3A_199 = tpu.memref_slice %arg9[%dma_start3A] : memref<5504xf32, #tpu.memory_space<vmem>> -> memref<5504xf32, #tpu.memory_space<vmem>>
        %dma_start3A_200 = tpu.memref_slice %arg10[%multiple_of3A_180] : memref<1001728xf32, #tpu.memory_space<vmem_shared>> -> memref<5504xf32, #tpu.memory_space<vmem_shared>>
        %dma_start3A_201 = tpu.memref_slice %arg10[%multiple_of3A_180] : memref<1001728xf32, #tpu.memory_space<vmem_shared>> -> memref<5504xf32, #tpu.memory_space<vmem_shared>>
        %dma_start3A_202 = arith.constant 0 : i32
        %dma_start3A_203 = tpu.memref_slice %arg9[%dma_start3A_202] : memref<5504xf32, #tpu.memory_space<vmem>> -> memref<5504xf32, #tpu.memory_space<vmem>>
        tpu.enqueue_dma source(%dma_start3A_203 : memref<5504xf32, #tpu.memory_space<vmem>>) target(%dma_start3A_201 : memref<5504xf32, #tpu.memory_space<vmem_shared>>) target_semaphore(%run_scoped3A : memref<!tpu.dma_semaphore, #tpu.memory_space<semaphore_mem>>)
        %dma_wait3A = arith.constant 0 : i32
        %dma_wait3A_204 = tpu.memref_slice %arg9[%dma_wait3A] : memref<5504xf32, #tpu.memory_space<vmem>> -> memref<5504xf32, #tpu.memory_space<vmem>>
        %dma_wait3A_205 = tpu.memref_slice %arg10[%multiple_of3A_180] : memref<1001728xf32, #tpu.memory_space<vmem_shared>> -> memref<5504xf32, #tpu.memory_space<vmem_shared>>
        %dma_wait3A_206 = tpu.memref_slice %arg10[%multiple_of3A_180] : memref<1001728xf32, #tpu.memory_space<vmem_shared>> -> memref<5504xf32, #tpu.memory_space<vmem_shared>>
        %dma_wait3A_207 = arith.constant 0 : i32
        %dma_wait3A_208 = tpu.memref_slice %arg9[%dma_wait3A_207] : memref<5504xf32, #tpu.memory_space<vmem>> -> memref<5504xf32, #tpu.memory_space<vmem>>
        tpu.wait_dma2 semaphore(%run_scoped3A : memref<!tpu.dma_semaphore, #tpu.memory_space<semaphore_mem>>) src(%dma_wait3A_208 : memref<5504xf32, #tpu.memory_space<vmem>>) dst(%dma_wait3A_206 : memref<5504xf32, #tpu.memory_space<vmem_shared>>)
        tpu.yield
      }) : () -> ()
      %add3A_181 = arith.constant 33024 : i32
      %add3A_182 = arith.addi %multiple_of3A_162, %add3A_181 : i32
      %multiple_of3A_183 = tpu.assume_multiple %add3A_182, 128 : i32
      "tpu.region"() ({
        %run_scoped3A = tpu.sem_alloc : memref<!tpu.dma_semaphore, #tpu.memory_space<semaphore_mem>>
        %dma_start3A = arith.constant 0 : i32
        %dma_start3A_199 = tpu.memref_slice %arg9[%dma_start3A] : memref<5504xf32, #tpu.memory_space<vmem>> -> memref<5504xf32, #tpu.memory_space<vmem>>
        %dma_start3A_200 = tpu.memref_slice %arg10[%multiple_of3A_183] : memref<1001728xf32, #tpu.memory_space<vmem_shared>> -> memref<5504xf32, #tpu.memory_space<vmem_shared>>
        %dma_start3A_201 = tpu.memref_slice %arg10[%multiple_of3A_183] : memref<1001728xf32, #tpu.memory_space<vmem_shared>> -> memref<5504xf32, #tpu.memory_space<vmem_shared>>
        %dma_start3A_202 = arith.constant 0 : i32
        %dma_start3A_203 = tpu.memref_slice %arg9[%dma_start3A_202] : memref<5504xf32, #tpu.memory_space<vmem>> -> memref<5504xf32, #tpu.memory_space<vmem>>
        tpu.enqueue_dma source(%dma_start3A_203 : memref<5504xf32, #tpu.memory_space<vmem>>) target(%dma_start3A_201 : memref<5504xf32, #tpu.memory_space<vmem_shared>>) target_semaphore(%run_scoped3A : memref<!tpu.dma_semaphore, #tpu.memory_space<semaphore_mem>>)
        %dma_wait3A = arith.constant 0 : i32
        %dma_wait3A_204 = tpu.memref_slice %arg9[%dma_wait3A] : memref<5504xf32, #tpu.memory_space<vmem>> -> memref<5504xf32, #tpu.memory_space<vmem>>
        %dma_wait3A_205 = tpu.memref_slice %arg10[%multiple_of3A_183] : memref<1001728xf32, #tpu.memory_space<vmem_shared>> -> memref<5504xf32, #tpu.memory_space<vmem_shared>>
        %dma_wait3A_206 = tpu.memref_slice %arg10[%multiple_of3A_183] : memref<1001728xf32, #tpu.memory_space<vmem_shared>> -> memref<5504xf32, #tpu.memory_space<vmem_shared>>
        %dma_wait3A_207 = arith.constant 0 : i32
        %dma_wait3A_208 = tpu.memref_slice %arg9[%dma_wait3A_207] : memref<5504xf32, #tpu.memory_space<vmem>> -> memref<5504xf32, #tpu.memory_space<vmem>>
        tpu.wait_dma2 semaphore(%run_scoped3A : memref<!tpu.dma_semaphore, #tpu.memory_space<semaphore_mem>>) src(%dma_wait3A_208 : memref<5504xf32, #tpu.memory_space<vmem>>) dst(%dma_wait3A_206 : memref<5504xf32, #tpu.memory_space<vmem_shared>>)
        tpu.yield
      }) : () -> ()
      %add3A_184 = arith.constant 38528 : i32
      %add3A_185 = arith.addi %multiple_of3A_162, %add3A_184 : i32
      %multiple_of3A_186 = tpu.assume_multiple %add3A_185, 128 : i32
      "tpu.region"() ({
        %run_scoped3A = tpu.sem_alloc : memref<!tpu.dma_semaphore, #tpu.memory_space<semaphore_mem>>
        %dma_start3A = arith.constant 0 : i32
        %dma_start3A_199 = tpu.memref_slice %arg9[%dma_start3A] : memref<5504xf32, #tpu.memory_space<vmem>> -> memref<5504xf32, #tpu.memory_space<vmem>>
        %dma_start3A_200 = tpu.memref_slice %arg10[%multiple_of3A_186] : memref<1001728xf32, #tpu.memory_space<vmem_shared>> -> memref<5504xf32, #tpu.memory_space<vmem_shared>>
        %dma_start3A_201 = tpu.memref_slice %arg10[%multiple_of3A_186] : memref<1001728xf32, #tpu.memory_space<vmem_shared>> -> memref<5504xf32, #tpu.memory_space<vmem_shared>>
        %dma_start3A_202 = arith.constant 0 : i32
        %dma_start3A_203 = tpu.memref_slice %arg9[%dma_start3A_202] : memref<5504xf32, #tpu.memory_space<vmem>> -> memref<5504xf32, #tpu.memory_space<vmem>>
        tpu.enqueue_dma source(%dma_start3A_203 : memref<5504xf32, #tpu.memory_space<vmem>>) target(%dma_start3A_201 : memref<5504xf32, #tpu.memory_space<vmem_shared>>) target_semaphore(%run_scoped3A : memref<!tpu.dma_semaphore, #tpu.memory_space<semaphore_mem>>)
        %dma_wait3A = arith.constant 0 : i32
        %dma_wait3A_204 = tpu.memref_slice %arg9[%dma_wait3A] : memref<5504xf32, #tpu.memory_space<vmem>> -> memref<5504xf32, #tpu.memory_space<vmem>>
        %dma_wait3A_205 = tpu.memref_slice %arg10[%multiple_of3A_186] : memref<1001728xf32, #tpu.memory_space<vmem_shared>> -> memref<5504xf32, #tpu.memory_space<vmem_shared>>
        %dma_wait3A_206 = tpu.memref_slice %arg10[%multiple_of3A_186] : memref<1001728xf32, #tpu.memory_space<vmem_shared>> -> memref<5504xf32, #tpu.memory_space<vmem_shared>>
        %dma_wait3A_207 = arith.constant 0 : i32
        %dma_wait3A_208 = tpu.memref_slice %arg9[%dma_wait3A_207] : memref<5504xf32, #tpu.memory_space<vmem>> -> memref<5504xf32, #tpu.memory_space<vmem>>
        tpu.wait_dma2 semaphore(%run_scoped3A : memref<!tpu.dma_semaphore, #tpu.memory_space<semaphore_mem>>) src(%dma_wait3A_208 : memref<5504xf32, #tpu.memory_space<vmem>>) dst(%dma_wait3A_206 : memref<5504xf32, #tpu.memory_space<vmem_shared>>)
        tpu.yield
      }) : () -> ()
      %add3A_187 = arith.constant 44032 : i32
      %add3A_188 = arith.addi %multiple_of3A_162, %add3A_187 : i32
      %multiple_of3A_189 = tpu.assume_multiple %add3A_188, 128 : i32
      "tpu.region"() ({
        %run_scoped3A = tpu.sem_alloc : memref<!tpu.dma_semaphore, #tpu.memory_space<semaphore_mem>>
        %dma_start3A = arith.constant 0 : i32
        %dma_start3A_199 = tpu.memref_slice %arg9[%dma_start3A] : memref<5504xf32, #tpu.memory_space<vmem>> -> memref<5504xf32, #tpu.memory_space<vmem>>
        %dma_start3A_200 = tpu.memref_slice %arg10[%multiple_of3A_189] : memref<1001728xf32, #tpu.memory_space<vmem_shared>> -> memref<5504xf32, #tpu.memory_space<vmem_shared>>
        %dma_start3A_201 = tpu.memref_slice %arg10[%multiple_of3A_189] : memref<1001728xf32, #tpu.memory_space<vmem_shared>> -> memref<5504xf32, #tpu.memory_space<vmem_shared>>
        %dma_start3A_202 = arith.constant 0 : i32
        %dma_start3A_203 = tpu.memref_slice %arg9[%dma_start3A_202] : memref<5504xf32, #tpu.memory_space<vmem>> -> memref<5504xf32, #tpu.memory_space<vmem>>
        tpu.enqueue_dma source(%dma_start3A_203 : memref<5504xf32, #tpu.memory_space<vmem>>) target(%dma_start3A_201 : memref<5504xf32, #tpu.memory_space<vmem_shared>>) target_semaphore(%run_scoped3A : memref<!tpu.dma_semaphore, #tpu.memory_space<semaphore_mem>>)
        %dma_wait3A = arith.constant 0 : i32
        %dma_wait3A_204 = tpu.memref_slice %arg9[%dma_wait3A] : memref<5504xf32, #tpu.memory_space<vmem>> -> memref<5504xf32, #tpu.memory_space<vmem>>
        %dma_wait3A_205 = tpu.memref_slice %arg10[%multiple_of3A_189] : memref<1001728xf32, #tpu.memory_space<vmem_shared>> -> memref<5504xf32, #tpu.memory_space<vmem_shared>>
        %dma_wait3A_206 = tpu.memref_slice %arg10[%multiple_of3A_189] : memref<1001728xf32, #tpu.memory_space<vmem_shared>> -> memref<5504xf32, #tpu.memory_space<vmem_shared>>
        %dma_wait3A_207 = arith.constant 0 : i32
        %dma_wait3A_208 = tpu.memref_slice %arg9[%dma_wait3A_207] : memref<5504xf32, #tpu.memory_space<vmem>> -> memref<5504xf32, #tpu.memory_space<vmem>>
        tpu.wait_dma2 semaphore(%run_scoped3A : memref<!tpu.dma_semaphore, #tpu.memory_space<semaphore_mem>>) src(%dma_wait3A_208 : memref<5504xf32, #tpu.memory_space<vmem>>) dst(%dma_wait3A_206 : memref<5504xf32, #tpu.memory_space<vmem_shared>>)
        tpu.yield
      }) : () -> ()
      %add3A_190 = arith.constant 49536 : i32
      %add3A_191 = arith.addi %multiple_of3A_162, %add3A_190 : i32
      %multiple_of3A_192 = tpu.assume_multiple %add3A_191, 128 : i32
      "tpu.region"() ({
        %run_scoped3A = tpu.sem_alloc : memref<!tpu.dma_semaphore, #tpu.memory_space<semaphore_mem>>
        %dma_start3A = arith.constant 0 : i32
        %dma_start3A_199 = tpu.memref_slice %arg9[%dma_start3A] : memref<5504xf32, #tpu.memory_space<vmem>> -> memref<5504xf32, #tpu.memory_space<vmem>>
        %dma_start3A_200 = tpu.memref_slice %arg10[%multiple_of3A_192] : memref<1001728xf32, #tpu.memory_space<vmem_shared>> -> memref<5504xf32, #tpu.memory_space<vmem_shared>>
        %dma_start3A_201 = tpu.memref_slice %arg10[%multiple_of3A_192] : memref<1001728xf32, #tpu.memory_space<vmem_shared>> -> memref<5504xf32, #tpu.memory_space<vmem_shared>>
        %dma_start3A_202 = arith.constant 0 : i32
        %dma_start3A_203 = tpu.memref_slice %arg9[%dma_start3A_202] : memref<5504xf32, #tpu.memory_space<vmem>> -> memref<5504xf32, #tpu.memory_space<vmem>>
        tpu.enqueue_dma source(%dma_start3A_203 : memref<5504xf32, #tpu.memory_space<vmem>>) target(%dma_start3A_201 : memref<5504xf32, #tpu.memory_space<vmem_shared>>) target_semaphore(%run_scoped3A : memref<!tpu.dma_semaphore, #tpu.memory_space<semaphore_mem>>)
        %dma_wait3A = arith.constant 0 : i32
        %dma_wait3A_204 = tpu.memref_slice %arg9[%dma_wait3A] : memref<5504xf32, #tpu.memory_space<vmem>> -> memref<5504xf32, #tpu.memory_space<vmem>>
        %dma_wait3A_205 = tpu.memref_slice %arg10[%multiple_of3A_192] : memref<1001728xf32, #tpu.memory_space<vmem_shared>> -> memref<5504xf32, #tpu.memory_space<vmem_shared>>
        %dma_wait3A_206 = tpu.memref_slice %arg10[%multiple_of3A_192] : memref<1001728xf32, #tpu.memory_space<vmem_shared>> -> memref<5504xf32, #tpu.memory_space<vmem_shared>>
        %dma_wait3A_207 = arith.constant 0 : i32
        %dma_wait3A_208 = tpu.memref_slice %arg9[%dma_wait3A_207] : memref<5504xf32, #tpu.memory_space<vmem>> -> memref<5504xf32, #tpu.memory_space<vmem>>
        tpu.wait_dma2 semaphore(%run_scoped3A : memref<!tpu.dma_semaphore, #tpu.memory_space<semaphore_mem>>) src(%dma_wait3A_208 : memref<5504xf32, #tpu.memory_space<vmem>>) dst(%dma_wait3A_206 : memref<5504xf32, #tpu.memory_space<vmem_shared>>)
        tpu.yield
      }) : () -> ()
      %add3A_193 = arith.constant 55040 : i32
      %add3A_194 = arith.addi %multiple_of3A_162, %add3A_193 : i32
      %multiple_of3A_195 = tpu.assume_multiple %add3A_194, 128 : i32
      "tpu.region"() ({
        %run_scoped3A = tpu.sem_alloc : memref<!tpu.dma_semaphore, #tpu.memory_space<semaphore_mem>>
        %dma_start3A = arith.constant 0 : i32
        %dma_start3A_199 = tpu.memref_slice %arg9[%dma_start3A] : memref<5504xf32, #tpu.memory_space<vmem>> -> memref<5504xf32, #tpu.memory_space<vmem>>
        %dma_start3A_200 = tpu.memref_slice %arg10[%multiple_of3A_195] : memref<1001728xf32, #tpu.memory_space<vmem_shared>> -> memref<5504xf32, #tpu.memory_space<vmem_shared>>
        %dma_start3A_201 = tpu.memref_slice %arg10[%multiple_of3A_195] : memref<1001728xf32, #tpu.memory_space<vmem_shared>> -> memref<5504xf32, #tpu.memory_space<vmem_shared>>
        %dma_start3A_202 = arith.constant 0 : i32
        %dma_start3A_203 = tpu.memref_slice %arg9[%dma_start3A_202] : memref<5504xf32, #tpu.memory_space<vmem>> -> memref<5504xf32, #tpu.memory_space<vmem>>
        tpu.enqueue_dma source(%dma_start3A_203 : memref<5504xf32, #tpu.memory_space<vmem>>) target(%dma_start3A_201 : memref<5504xf32, #tpu.memory_space<vmem_shared>>) target_semaphore(%run_scoped3A : memref<!tpu.dma_semaphore, #tpu.memory_space<semaphore_mem>>)
        %dma_wait3A = arith.constant 0 : i32
        %dma_wait3A_204 = tpu.memref_slice %arg9[%dma_wait3A] : memref<5504xf32, #tpu.memory_space<vmem>> -> memref<5504xf32, #tpu.memory_space<vmem>>
        %dma_wait3A_205 = tpu.memref_slice %arg10[%multiple_of3A_195] : memref<1001728xf32, #tpu.memory_space<vmem_shared>> -> memref<5504xf32, #tpu.memory_space<vmem_shared>>
        %dma_wait3A_206 = tpu.memref_slice %arg10[%multiple_of3A_195] : memref<1001728xf32, #tpu.memory_space<vmem_shared>> -> memref<5504xf32, #tpu.memory_space<vmem_shared>>
        %dma_wait3A_207 = arith.constant 0 : i32
        %dma_wait3A_208 = tpu.memref_slice %arg9[%dma_wait3A_207] : memref<5504xf32, #tpu.memory_space<vmem>> -> memref<5504xf32, #tpu.memory_space<vmem>>
        tpu.wait_dma2 semaphore(%run_scoped3A : memref<!tpu.dma_semaphore, #tpu.memory_space<semaphore_mem>>) src(%dma_wait3A_208 : memref<5504xf32, #tpu.memory_space<vmem>>) dst(%dma_wait3A_206 : memref<5504xf32, #tpu.memory_space<vmem_shared>>)
        tpu.yield
      }) : () -> ()
      %add3A_196 = arith.constant 60544 : i32
      %add3A_197 = arith.addi %multiple_of3A_162, %add3A_196 : i32
      %multiple_of3A_198 = tpu.assume_multiple %add3A_197, 128 : i32
      "tpu.region"() ({
        %run_scoped3A = tpu.sem_alloc : memref<!tpu.dma_semaphore, #tpu.memory_space<semaphore_mem>>
        %dma_start3A = arith.constant 0 : i32
        %dma_start3A_199 = tpu.memref_slice %arg9[%dma_start3A] : memref<5504xf32, #tpu.memory_space<vmem>> -> memref<2048xf32, #tpu.memory_space<vmem>>
        %dma_start3A_200 = tpu.memref_slice %arg10[%multiple_of3A_198] : memref<1001728xf32, #tpu.memory_space<vmem_shared>> -> memref<2048xf32, #tpu.memory_space<vmem_shared>>
        %dma_start3A_201 = tpu.memref_slice %arg10[%multiple_of3A_198] : memref<1001728xf32, #tpu.memory_space<vmem_shared>> -> memref<2048xf32, #tpu.memory_space<vmem_shared>>
        %dma_start3A_202 = arith.constant 0 : i32
        %dma_start3A_203 = tpu.memref_slice %arg9[%dma_start3A_202] : memref<5504xf32, #tpu.memory_space<vmem>> -> memref<2048xf32, #tpu.memory_space<vmem>>
        tpu.enqueue_dma source(%dma_start3A_203 : memref<2048xf32, #tpu.memory_space<vmem>>) target(%dma_start3A_201 : memref<2048xf32, #tpu.memory_space<vmem_shared>>) target_semaphore(%run_scoped3A : memref<!tpu.dma_semaphore, #tpu.memory_space<semaphore_mem>>)
        %dma_wait3A = arith.constant 0 : i32
        %dma_wait3A_204 = tpu.memref_slice %arg9[%dma_wait3A] : memref<5504xf32, #tpu.memory_space<vmem>> -> memref<2048xf32, #tpu.memory_space<vmem>>
        %dma_wait3A_205 = tpu.memref_slice %arg10[%multiple_of3A_198] : memref<1001728xf32, #tpu.memory_space<vmem_shared>> -> memref<2048xf32, #tpu.memory_space<vmem_shared>>
        %dma_wait3A_206 = tpu.memref_slice %arg10[%multiple_of3A_198] : memref<1001728xf32, #tpu.memory_space<vmem_shared>> -> memref<2048xf32, #tpu.memory_space<vmem_shared>>
        %dma_wait3A_207 = arith.constant 0 : i32
        %dma_wait3A_208 = tpu.memref_slice %arg9[%dma_wait3A_207] : memref<5504xf32, #tpu.memory_space<vmem>> -> memref<2048xf32, #tpu.memory_space<vmem>>
        tpu.wait_dma2 semaphore(%run_scoped3A : memref<!tpu.dma_semaphore, #tpu.memory_space<semaphore_mem>>) src(%dma_wait3A_208 : memref<2048xf32, #tpu.memory_space<vmem>>) dst(%dma_wait3A_206 : memref<2048xf32, #tpu.memory_space<vmem_shared>>)
        tpu.yield
      }) : () -> ()
    } else {
    }
    %eq3A_97 = arith.constant 1 : i32
    %eq3A_98 = arith.cmpi eq, %arg0, %eq3A_97 : i32
    %lt3A = arith.constant 15 : i32
    %lt3A_99 = arith.cmpi slt, %arg1, %lt3A : i32
    %and3A = arith.andi %eq3A_98, %lt3A_99 : i1
    %convert_element_type3A_100 = arith.extui %and3A : i1 to i32
    %cond3A_101 = arith.constant 0 : i32
    %cond3A_102 = arith.cmpi ne, %convert_element_type3A_100, %cond3A_101 : i32
    scf.if %cond3A_102 {
      %mul3A_160 = arith.constant 62208 : i32
      %mul3A_161 = arith.muli %arg1, %mul3A_160 : i32
      %multiple_of3A_162 = tpu.assume_multiple %mul3A_161, 128 : i32
      %add3A_163 = arith.constant 0 : i32
      %add3A_164 = arith.addi %multiple_of3A_162, %add3A_163 : i32
      %multiple_of3A_165 = tpu.assume_multiple %add3A_164, 128 : i32
      "tpu.region"() ({
        %run_scoped3A = tpu.sem_alloc : memref<!tpu.dma_semaphore, #tpu.memory_space<semaphore_mem>>
        %dma_start3A = arith.constant 0 : i32
        %dma_start3A_199 = tpu.memref_slice %arg9[%dma_start3A] : memref<5504xf32, #tpu.memory_space<vmem>> -> memref<5504xf32, #tpu.memory_space<vmem>>
        %dma_start3A_200 = tpu.memref_slice %arg10[%multiple_of3A_165] : memref<1001728xf32, #tpu.memory_space<vmem_shared>> -> memref<5504xf32, #tpu.memory_space<vmem_shared>>
        %dma_start3A_201 = tpu.memref_slice %arg10[%multiple_of3A_165] : memref<1001728xf32, #tpu.memory_space<vmem_shared>> -> memref<5504xf32, #tpu.memory_space<vmem_shared>>
        %dma_start3A_202 = arith.constant 0 : i32
        %dma_start3A_203 = tpu.memref_slice %arg9[%dma_start3A_202] : memref<5504xf32, #tpu.memory_space<vmem>> -> memref<5504xf32, #tpu.memory_space<vmem>>
        tpu.enqueue_dma source(%dma_start3A_203 : memref<5504xf32, #tpu.memory_space<vmem>>) target(%dma_start3A_201 : memref<5504xf32, #tpu.memory_space<vmem_shared>>) target_semaphore(%run_scoped3A : memref<!tpu.dma_semaphore, #tpu.memory_space<semaphore_mem>>)
        %dma_wait3A = arith.constant 0 : i32
        %dma_wait3A_204 = tpu.memref_slice %arg9[%dma_wait3A] : memref<5504xf32, #tpu.memory_space<vmem>> -> memref<5504xf32, #tpu.memory_space<vmem>>
        %dma_wait3A_205 = tpu.memref_slice %arg10[%multiple_of3A_165] : memref<1001728xf32, #tpu.memory_space<vmem_shared>> -> memref<5504xf32, #tpu.memory_space<vmem_shared>>
        %dma_wait3A_206 = tpu.memref_slice %arg10[%multiple_of3A_165] : memref<1001728xf32, #tpu.memory_space<vmem_shared>> -> memref<5504xf32, #tpu.memory_space<vmem_shared>>
        %dma_wait3A_207 = arith.constant 0 : i32
        %dma_wait3A_208 = tpu.memref_slice %arg9[%dma_wait3A_207] : memref<5504xf32, #tpu.memory_space<vmem>> -> memref<5504xf32, #tpu.memory_space<vmem>>
        tpu.wait_dma2 semaphore(%run_scoped3A : memref<!tpu.dma_semaphore, #tpu.memory_space<semaphore_mem>>) src(%dma_wait3A_208 : memref<5504xf32, #tpu.memory_space<vmem>>) dst(%dma_wait3A_206 : memref<5504xf32, #tpu.memory_space<vmem_shared>>)
        tpu.yield
      }) : () -> ()
      %add3A_166 = arith.constant 5504 : i32
      %add3A_167 = arith.addi %multiple_of3A_162, %add3A_166 : i32
      %multiple_of3A_168 = tpu.assume_multiple %add3A_167, 128 : i32
      "tpu.region"() ({
        %run_scoped3A = tpu.sem_alloc : memref<!tpu.dma_semaphore, #tpu.memory_space<semaphore_mem>>
        %dma_start3A = arith.constant 0 : i32
        %dma_start3A_199 = tpu.memref_slice %arg9[%dma_start3A] : memref<5504xf32, #tpu.memory_space<vmem>> -> memref<5504xf32, #tpu.memory_space<vmem>>
        %dma_start3A_200 = tpu.memref_slice %arg10[%multiple_of3A_168] : memref<1001728xf32, #tpu.memory_space<vmem_shared>> -> memref<5504xf32, #tpu.memory_space<vmem_shared>>
        %dma_start3A_201 = tpu.memref_slice %arg10[%multiple_of3A_168] : memref<1001728xf32, #tpu.memory_space<vmem_shared>> -> memref<5504xf32, #tpu.memory_space<vmem_shared>>
        %dma_start3A_202 = arith.constant 0 : i32
        %dma_start3A_203 = tpu.memref_slice %arg9[%dma_start3A_202] : memref<5504xf32, #tpu.memory_space<vmem>> -> memref<5504xf32, #tpu.memory_space<vmem>>
        tpu.enqueue_dma source(%dma_start3A_203 : memref<5504xf32, #tpu.memory_space<vmem>>) target(%dma_start3A_201 : memref<5504xf32, #tpu.memory_space<vmem_shared>>) target_semaphore(%run_scoped3A : memref<!tpu.dma_semaphore, #tpu.memory_space<semaphore_mem>>)
        %dma_wait3A = arith.constant 0 : i32
        %dma_wait3A_204 = tpu.memref_slice %arg9[%dma_wait3A] : memref<5504xf32, #tpu.memory_space<vmem>> -> memref<5504xf32, #tpu.memory_space<vmem>>
        %dma_wait3A_205 = tpu.memref_slice %arg10[%multiple_of3A_168] : memref<1001728xf32, #tpu.memory_space<vmem_shared>> -> memref<5504xf32, #tpu.memory_space<vmem_shared>>
        %dma_wait3A_206 = tpu.memref_slice %arg10[%multiple_of3A_168] : memref<1001728xf32, #tpu.memory_space<vmem_shared>> -> memref<5504xf32, #tpu.memory_space<vmem_shared>>
        %dma_wait3A_207 = arith.constant 0 : i32
        %dma_wait3A_208 = tpu.memref_slice %arg9[%dma_wait3A_207] : memref<5504xf32, #tpu.memory_space<vmem>> -> memref<5504xf32, #tpu.memory_space<vmem>>
        tpu.wait_dma2 semaphore(%run_scoped3A : memref<!tpu.dma_semaphore, #tpu.memory_space<semaphore_mem>>) src(%dma_wait3A_208 : memref<5504xf32, #tpu.memory_space<vmem>>) dst(%dma_wait3A_206 : memref<5504xf32, #tpu.memory_space<vmem_shared>>)
        tpu.yield
      }) : () -> ()
      %add3A_169 = arith.constant 11008 : i32
      %add3A_170 = arith.addi %multiple_of3A_162, %add3A_169 : i32
      %multiple_of3A_171 = tpu.assume_multiple %add3A_170, 128 : i32
      "tpu.region"() ({
        %run_scoped3A = tpu.sem_alloc : memref<!tpu.dma_semaphore, #tpu.memory_space<semaphore_mem>>
        %dma_start3A = arith.constant 0 : i32
        %dma_start3A_199 = tpu.memref_slice %arg9[%dma_start3A] : memref<5504xf32, #tpu.memory_space<vmem>> -> memref<5504xf32, #tpu.memory_space<vmem>>
        %dma_start3A_200 = tpu.memref_slice %arg10[%multiple_of3A_171] : memref<1001728xf32, #tpu.memory_space<vmem_shared>> -> memref<5504xf32, #tpu.memory_space<vmem_shared>>
        %dma_start3A_201 = tpu.memref_slice %arg10[%multiple_of3A_171] : memref<1001728xf32, #tpu.memory_space<vmem_shared>> -> memref<5504xf32, #tpu.memory_space<vmem_shared>>
        %dma_start3A_202 = arith.constant 0 : i32
        %dma_start3A_203 = tpu.memref_slice %arg9[%dma_start3A_202] : memref<5504xf32, #tpu.memory_space<vmem>> -> memref<5504xf32, #tpu.memory_space<vmem>>
        tpu.enqueue_dma source(%dma_start3A_203 : memref<5504xf32, #tpu.memory_space<vmem>>) target(%dma_start3A_201 : memref<5504xf32, #tpu.memory_space<vmem_shared>>) target_semaphore(%run_scoped3A : memref<!tpu.dma_semaphore, #tpu.memory_space<semaphore_mem>>)
        %dma_wait3A = arith.constant 0 : i32
        %dma_wait3A_204 = tpu.memref_slice %arg9[%dma_wait3A] : memref<5504xf32, #tpu.memory_space<vmem>> -> memref<5504xf32, #tpu.memory_space<vmem>>
        %dma_wait3A_205 = tpu.memref_slice %arg10[%multiple_of3A_171] : memref<1001728xf32, #tpu.memory_space<vmem_shared>> -> memref<5504xf32, #tpu.memory_space<vmem_shared>>
        %dma_wait3A_206 = tpu.memref_slice %arg10[%multiple_of3A_171] : memref<1001728xf32, #tpu.memory_space<vmem_shared>> -> memref<5504xf32, #tpu.memory_space<vmem_shared>>
        %dma_wait3A_207 = arith.constant 0 : i32
        %dma_wait3A_208 = tpu.memref_slice %arg9[%dma_wait3A_207] : memref<5504xf32, #tpu.memory_space<vmem>> -> memref<5504xf32, #tpu.memory_space<vmem>>
        tpu.wait_dma2 semaphore(%run_scoped3A : memref<!tpu.dma_semaphore, #tpu.memory_space<semaphore_mem>>) src(%dma_wait3A_208 : memref<5504xf32, #tpu.memory_space<vmem>>) dst(%dma_wait3A_206 : memref<5504xf32, #tpu.memory_space<vmem_shared>>)
        tpu.yield
      }) : () -> ()
      %add3A_172 = arith.constant 16512 : i32
      %add3A_173 = arith.addi %multiple_of3A_162, %add3A_172 : i32
      %multiple_of3A_174 = tpu.assume_multiple %add3A_173, 128 : i32
      "tpu.region"() ({
        %run_scoped3A = tpu.sem_alloc : memref<!tpu.dma_semaphore, #tpu.memory_space<semaphore_mem>>
        %dma_start3A = arith.constant 0 : i32
        %dma_start3A_199 = tpu.memref_slice %arg9[%dma_start3A] : memref<5504xf32, #tpu.memory_space<vmem>> -> memref<5504xf32, #tpu.memory_space<vmem>>
        %dma_start3A_200 = tpu.memref_slice %arg10[%multiple_of3A_174] : memref<1001728xf32, #tpu.memory_space<vmem_shared>> -> memref<5504xf32, #tpu.memory_space<vmem_shared>>
        %dma_start3A_201 = tpu.memref_slice %arg10[%multiple_of3A_174] : memref<1001728xf32, #tpu.memory_space<vmem_shared>> -> memref<5504xf32, #tpu.memory_space<vmem_shared>>
        %dma_start3A_202 = arith.constant 0 : i32
        %dma_start3A_203 = tpu.memref_slice %arg9[%dma_start3A_202] : memref<5504xf32, #tpu.memory_space<vmem>> -> memref<5504xf32, #tpu.memory_space<vmem>>
        tpu.enqueue_dma source(%dma_start3A_203 : memref<5504xf32, #tpu.memory_space<vmem>>) target(%dma_start3A_201 : memref<5504xf32, #tpu.memory_space<vmem_shared>>) target_semaphore(%run_scoped3A : memref<!tpu.dma_semaphore, #tpu.memory_space<semaphore_mem>>)
        %dma_wait3A = arith.constant 0 : i32
        %dma_wait3A_204 = tpu.memref_slice %arg9[%dma_wait3A] : memref<5504xf32, #tpu.memory_space<vmem>> -> memref<5504xf32, #tpu.memory_space<vmem>>
        %dma_wait3A_205 = tpu.memref_slice %arg10[%multiple_of3A_174] : memref<1001728xf32, #tpu.memory_space<vmem_shared>> -> memref<5504xf32, #tpu.memory_space<vmem_shared>>
        %dma_wait3A_206 = tpu.memref_slice %arg10[%multiple_of3A_174] : memref<1001728xf32, #tpu.memory_space<vmem_shared>> -> memref<5504xf32, #tpu.memory_space<vmem_shared>>
        %dma_wait3A_207 = arith.constant 0 : i32
        %dma_wait3A_208 = tpu.memref_slice %arg9[%dma_wait3A_207] : memref<5504xf32, #tpu.memory_space<vmem>> -> memref<5504xf32, #tpu.memory_space<vmem>>
        tpu.wait_dma2 semaphore(%run_scoped3A : memref<!tpu.dma_semaphore, #tpu.memory_space<semaphore_mem>>) src(%dma_wait3A_208 : memref<5504xf32, #tpu.memory_space<vmem>>) dst(%dma_wait3A_206 : memref<5504xf32, #tpu.memory_space<vmem_shared>>)
        tpu.yield
      }) : () -> ()
      %add3A_175 = arith.constant 22016 : i32
      %add3A_176 = arith.addi %multiple_of3A_162, %add3A_175 : i32
      %multiple_of3A_177 = tpu.assume_multiple %add3A_176, 128 : i32
      "tpu.region"() ({
        %run_scoped3A = tpu.sem_alloc : memref<!tpu.dma_semaphore, #tpu.memory_space<semaphore_mem>>
        %dma_start3A = arith.constant 0 : i32
        %dma_start3A_199 = tpu.memref_slice %arg9[%dma_start3A] : memref<5504xf32, #tpu.memory_space<vmem>> -> memref<5504xf32, #tpu.memory_space<vmem>>
        %dma_start3A_200 = tpu.memref_slice %arg10[%multiple_of3A_177] : memref<1001728xf32, #tpu.memory_space<vmem_shared>> -> memref<5504xf32, #tpu.memory_space<vmem_shared>>
        %dma_start3A_201 = tpu.memref_slice %arg10[%multiple_of3A_177] : memref<1001728xf32, #tpu.memory_space<vmem_shared>> -> memref<5504xf32, #tpu.memory_space<vmem_shared>>
        %dma_start3A_202 = arith.constant 0 : i32
        %dma_start3A_203 = tpu.memref_slice %arg9[%dma_start3A_202] : memref<5504xf32, #tpu.memory_space<vmem>> -> memref<5504xf32, #tpu.memory_space<vmem>>
        tpu.enqueue_dma source(%dma_start3A_203 : memref<5504xf32, #tpu.memory_space<vmem>>) target(%dma_start3A_201 : memref<5504xf32, #tpu.memory_space<vmem_shared>>) target_semaphore(%run_scoped3A : memref<!tpu.dma_semaphore, #tpu.memory_space<semaphore_mem>>)
        %dma_wait3A = arith.constant 0 : i32
        %dma_wait3A_204 = tpu.memref_slice %arg9[%dma_wait3A] : memref<5504xf32, #tpu.memory_space<vmem>> -> memref<5504xf32, #tpu.memory_space<vmem>>
        %dma_wait3A_205 = tpu.memref_slice %arg10[%multiple_of3A_177] : memref<1001728xf32, #tpu.memory_space<vmem_shared>> -> memref<5504xf32, #tpu.memory_space<vmem_shared>>
        %dma_wait3A_206 = tpu.memref_slice %arg10[%multiple_of3A_177] : memref<1001728xf32, #tpu.memory_space<vmem_shared>> -> memref<5504xf32, #tpu.memory_space<vmem_shared>>
        %dma_wait3A_207 = arith.constant 0 : i32
        %dma_wait3A_208 = tpu.memref_slice %arg9[%dma_wait3A_207] : memref<5504xf32, #tpu.memory_space<vmem>> -> memref<5504xf32, #tpu.memory_space<vmem>>
        tpu.wait_dma2 semaphore(%run_scoped3A : memref<!tpu.dma_semaphore, #tpu.memory_space<semaphore_mem>>) src(%dma_wait3A_208 : memref<5504xf32, #tpu.memory_space<vmem>>) dst(%dma_wait3A_206 : memref<5504xf32, #tpu.memory_space<vmem_shared>>)
        tpu.yield
      }) : () -> ()
      %add3A_178 = arith.constant 27520 : i32
      %add3A_179 = arith.addi %multiple_of3A_162, %add3A_178 : i32
      %multiple_of3A_180 = tpu.assume_multiple %add3A_179, 128 : i32
      "tpu.region"() ({
        %run_scoped3A = tpu.sem_alloc : memref<!tpu.dma_semaphore, #tpu.memory_space<semaphore_mem>>
        %dma_start3A = arith.constant 0 : i32
        %dma_start3A_199 = tpu.memref_slice %arg9[%dma_start3A] : memref<5504xf32, #tpu.memory_space<vmem>> -> memref<5504xf32, #tpu.memory_space<vmem>>
        %dma_start3A_200 = tpu.memref_slice %arg10[%multiple_of3A_180] : memref<1001728xf32, #tpu.memory_space<vmem_shared>> -> memref<5504xf32, #tpu.memory_space<vmem_shared>>
        %dma_start3A_201 = tpu.memref_slice %arg10[%multiple_of3A_180] : memref<1001728xf32, #tpu.memory_space<vmem_shared>> -> memref<5504xf32, #tpu.memory_space<vmem_shared>>
        %dma_start3A_202 = arith.constant 0 : i32
        %dma_start3A_203 = tpu.memref_slice %arg9[%dma_start3A_202] : memref<5504xf32, #tpu.memory_space<vmem>> -> memref<5504xf32, #tpu.memory_space<vmem>>
        tpu.enqueue_dma source(%dma_start3A_203 : memref<5504xf32, #tpu.memory_space<vmem>>) target(%dma_start3A_201 : memref<5504xf32, #tpu.memory_space<vmem_shared>>) target_semaphore(%run_scoped3A : memref<!tpu.dma_semaphore, #tpu.memory_space<semaphore_mem>>)
        %dma_wait3A = arith.constant 0 : i32
        %dma_wait3A_204 = tpu.memref_slice %arg9[%dma_wait3A] : memref<5504xf32, #tpu.memory_space<vmem>> -> memref<5504xf32, #tpu.memory_space<vmem>>
        %dma_wait3A_205 = tpu.memref_slice %arg10[%multiple_of3A_180] : memref<1001728xf32, #tpu.memory_space<vmem_shared>> -> memref<5504xf32, #tpu.memory_space<vmem_shared>>
        %dma_wait3A_206 = tpu.memref_slice %arg10[%multiple_of3A_180] : memref<1001728xf32, #tpu.memory_space<vmem_shared>> -> memref<5504xf32, #tpu.memory_space<vmem_shared>>
        %dma_wait3A_207 = arith.constant 0 : i32
        %dma_wait3A_208 = tpu.memref_slice %arg9[%dma_wait3A_207] : memref<5504xf32, #tpu.memory_space<vmem>> -> memref<5504xf32, #tpu.memory_space<vmem>>
        tpu.wait_dma2 semaphore(%run_scoped3A : memref<!tpu.dma_semaphore, #tpu.memory_space<semaphore_mem>>) src(%dma_wait3A_208 : memref<5504xf32, #tpu.memory_space<vmem>>) dst(%dma_wait3A_206 : memref<5504xf32, #tpu.memory_space<vmem_shared>>)
        tpu.yield
      }) : () -> ()
      %add3A_181 = arith.constant 33024 : i32
      %add3A_182 = arith.addi %multiple_of3A_162, %add3A_181 : i32
      %multiple_of3A_183 = tpu.assume_multiple %add3A_182, 128 : i32
      "tpu.region"() ({
        %run_scoped3A = tpu.sem_alloc : memref<!tpu.dma_semaphore, #tpu.memory_space<semaphore_mem>>
        %dma_start3A = arith.constant 0 : i32
        %dma_start3A_199 = tpu.memref_slice %arg9[%dma_start3A] : memref<5504xf32, #tpu.memory_space<vmem>> -> memref<5504xf32, #tpu.memory_space<vmem>>
        %dma_start3A_200 = tpu.memref_slice %arg10[%multiple_of3A_183] : memref<1001728xf32, #tpu.memory_space<vmem_shared>> -> memref<5504xf32, #tpu.memory_space<vmem_shared>>
        %dma_start3A_201 = tpu.memref_slice %arg10[%multiple_of3A_183] : memref<1001728xf32, #tpu.memory_space<vmem_shared>> -> memref<5504xf32, #tpu.memory_space<vmem_shared>>
        %dma_start3A_202 = arith.constant 0 : i32
        %dma_start3A_203 = tpu.memref_slice %arg9[%dma_start3A_202] : memref<5504xf32, #tpu.memory_space<vmem>> -> memref<5504xf32, #tpu.memory_space<vmem>>
        tpu.enqueue_dma source(%dma_start3A_203 : memref<5504xf32, #tpu.memory_space<vmem>>) target(%dma_start3A_201 : memref<5504xf32, #tpu.memory_space<vmem_shared>>) target_semaphore(%run_scoped3A : memref<!tpu.dma_semaphore, #tpu.memory_space<semaphore_mem>>)
        %dma_wait3A = arith.constant 0 : i32
        %dma_wait3A_204 = tpu.memref_slice %arg9[%dma_wait3A] : memref<5504xf32, #tpu.memory_space<vmem>> -> memref<5504xf32, #tpu.memory_space<vmem>>
        %dma_wait3A_205 = tpu.memref_slice %arg10[%multiple_of3A_183] : memref<1001728xf32, #tpu.memory_space<vmem_shared>> -> memref<5504xf32, #tpu.memory_space<vmem_shared>>
        %dma_wait3A_206 = tpu.memref_slice %arg10[%multiple_of3A_183] : memref<1001728xf32, #tpu.memory_space<vmem_shared>> -> memref<5504xf32, #tpu.memory_space<vmem_shared>>
        %dma_wait3A_207 = arith.constant 0 : i32
        %dma_wait3A_208 = tpu.memref_slice %arg9[%dma_wait3A_207] : memref<5504xf32, #tpu.memory_space<vmem>> -> memref<5504xf32, #tpu.memory_space<vmem>>
        tpu.wait_dma2 semaphore(%run_scoped3A : memref<!tpu.dma_semaphore, #tpu.memory_space<semaphore_mem>>) src(%dma_wait3A_208 : memref<5504xf32, #tpu.memory_space<vmem>>) dst(%dma_wait3A_206 : memref<5504xf32, #tpu.memory_space<vmem_shared>>)
        tpu.yield
      }) : () -> ()
      %add3A_184 = arith.constant 38528 : i32
      %add3A_185 = arith.addi %multiple_of3A_162, %add3A_184 : i32
      %multiple_of3A_186 = tpu.assume_multiple %add3A_185, 128 : i32
      "tpu.region"() ({
        %run_scoped3A = tpu.sem_alloc : memref<!tpu.dma_semaphore, #tpu.memory_space<semaphore_mem>>
        %dma_start3A = arith.constant 0 : i32
        %dma_start3A_199 = tpu.memref_slice %arg9[%dma_start3A] : memref<5504xf32, #tpu.memory_space<vmem>> -> memref<5504xf32, #tpu.memory_space<vmem>>
        %dma_start3A_200 = tpu.memref_slice %arg10[%multiple_of3A_186] : memref<1001728xf32, #tpu.memory_space<vmem_shared>> -> memref<5504xf32, #tpu.memory_space<vmem_shared>>
        %dma_start3A_201 = tpu.memref_slice %arg10[%multiple_of3A_186] : memref<1001728xf32, #tpu.memory_space<vmem_shared>> -> memref<5504xf32, #tpu.memory_space<vmem_shared>>
        %dma_start3A_202 = arith.constant 0 : i32
        %dma_start3A_203 = tpu.memref_slice %arg9[%dma_start3A_202] : memref<5504xf32, #tpu.memory_space<vmem>> -> memref<5504xf32, #tpu.memory_space<vmem>>
        tpu.enqueue_dma source(%dma_start3A_203 : memref<5504xf32, #tpu.memory_space<vmem>>) target(%dma_start3A_201 : memref<5504xf32, #tpu.memory_space<vmem_shared>>) target_semaphore(%run_scoped3A : memref<!tpu.dma_semaphore, #tpu.memory_space<semaphore_mem>>)
        %dma_wait3A = arith.constant 0 : i32
        %dma_wait3A_204 = tpu.memref_slice %arg9[%dma_wait3A] : memref<5504xf32, #tpu.memory_space<vmem>> -> memref<5504xf32, #tpu.memory_space<vmem>>
        %dma_wait3A_205 = tpu.memref_slice %arg10[%multiple_of3A_186] : memref<1001728xf32, #tpu.memory_space<vmem_shared>> -> memref<5504xf32, #tpu.memory_space<vmem_shared>>
        %dma_wait3A_206 = tpu.memref_slice %arg10[%multiple_of3A_186] : memref<1001728xf32, #tpu.memory_space<vmem_shared>> -> memref<5504xf32, #tpu.memory_space<vmem_shared>>
        %dma_wait3A_207 = arith.constant 0 : i32
        %dma_wait3A_208 = tpu.memref_slice %arg9[%dma_wait3A_207] : memref<5504xf32, #tpu.memory_space<vmem>> -> memref<5504xf32, #tpu.memory_space<vmem>>
        tpu.wait_dma2 semaphore(%run_scoped3A : memref<!tpu.dma_semaphore, #tpu.memory_space<semaphore_mem>>) src(%dma_wait3A_208 : memref<5504xf32, #tpu.memory_space<vmem>>) dst(%dma_wait3A_206 : memref<5504xf32, #tpu.memory_space<vmem_shared>>)
        tpu.yield
      }) : () -> ()
      %add3A_187 = arith.constant 44032 : i32
      %add3A_188 = arith.addi %multiple_of3A_162, %add3A_187 : i32
      %multiple_of3A_189 = tpu.assume_multiple %add3A_188, 128 : i32
      "tpu.region"() ({
        %run_scoped3A = tpu.sem_alloc : memref<!tpu.dma_semaphore, #tpu.memory_space<semaphore_mem>>
        %dma_start3A = arith.constant 0 : i32
        %dma_start3A_199 = tpu.memref_slice %arg9[%dma_start3A] : memref<5504xf32, #tpu.memory_space<vmem>> -> memref<5504xf32, #tpu.memory_space<vmem>>
        %dma_start3A_200 = tpu.memref_slice %arg10[%multiple_of3A_189] : memref<1001728xf32, #tpu.memory_space<vmem_shared>> -> memref<5504xf32, #tpu.memory_space<vmem_shared>>
        %dma_start3A_201 = tpu.memref_slice %arg10[%multiple_of3A_189] : memref<1001728xf32, #tpu.memory_space<vmem_shared>> -> memref<5504xf32, #tpu.memory_space<vmem_shared>>
        %dma_start3A_202 = arith.constant 0 : i32
        %dma_start3A_203 = tpu.memref_slice %arg9[%dma_start3A_202] : memref<5504xf32, #tpu.memory_space<vmem>> -> memref<5504xf32, #tpu.memory_space<vmem>>
        tpu.enqueue_dma source(%dma_start3A_203 : memref<5504xf32, #tpu.memory_space<vmem>>) target(%dma_start3A_201 : memref<5504xf32, #tpu.memory_space<vmem_shared>>) target_semaphore(%run_scoped3A : memref<!tpu.dma_semaphore, #tpu.memory_space<semaphore_mem>>)
        %dma_wait3A = arith.constant 0 : i32
        %dma_wait3A_204 = tpu.memref_slice %arg9[%dma_wait3A] : memref<5504xf32, #tpu.memory_space<vmem>> -> memref<5504xf32, #tpu.memory_space<vmem>>
        %dma_wait3A_205 = tpu.memref_slice %arg10[%multiple_of3A_189] : memref<1001728xf32, #tpu.memory_space<vmem_shared>> -> memref<5504xf32, #tpu.memory_space<vmem_shared>>
        %dma_wait3A_206 = tpu.memref_slice %arg10[%multiple_of3A_189] : memref<1001728xf32, #tpu.memory_space<vmem_shared>> -> memref<5504xf32, #tpu.memory_space<vmem_shared>>
        %dma_wait3A_207 = arith.constant 0 : i32
        %dma_wait3A_208 = tpu.memref_slice %arg9[%dma_wait3A_207] : memref<5504xf32, #tpu.memory_space<vmem>> -> memref<5504xf32, #tpu.memory_space<vmem>>
        tpu.wait_dma2 semaphore(%run_scoped3A : memref<!tpu.dma_semaphore, #tpu.memory_space<semaphore_mem>>) src(%dma_wait3A_208 : memref<5504xf32, #tpu.memory_space<vmem>>) dst(%dma_wait3A_206 : memref<5504xf32, #tpu.memory_space<vmem_shared>>)
        tpu.yield
      }) : () -> ()
      %add3A_190 = arith.constant 49536 : i32
      %add3A_191 = arith.addi %multiple_of3A_162, %add3A_190 : i32
      %multiple_of3A_192 = tpu.assume_multiple %add3A_191, 128 : i32
      "tpu.region"() ({
        %run_scoped3A = tpu.sem_alloc : memref<!tpu.dma_semaphore, #tpu.memory_space<semaphore_mem>>
        %dma_start3A = arith.constant 0 : i32
        %dma_start3A_199 = tpu.memref_slice %arg9[%dma_start3A] : memref<5504xf32, #tpu.memory_space<vmem>> -> memref<5504xf32, #tpu.memory_space<vmem>>
        %dma_start3A_200 = tpu.memref_slice %arg10[%multiple_of3A_192] : memref<1001728xf32, #tpu.memory_space<vmem_shared>> -> memref<5504xf32, #tpu.memory_space<vmem_shared>>
        %dma_start3A_201 = tpu.memref_slice %arg10[%multiple_of3A_192] : memref<1001728xf32, #tpu.memory_space<vmem_shared>> -> memref<5504xf32, #tpu.memory_space<vmem_shared>>
        %dma_start3A_202 = arith.constant 0 : i32
        %dma_start3A_203 = tpu.memref_slice %arg9[%dma_start3A_202] : memref<5504xf32, #tpu.memory_space<vmem>> -> memref<5504xf32, #tpu.memory_space<vmem>>
        tpu.enqueue_dma source(%dma_start3A_203 : memref<5504xf32, #tpu.memory_space<vmem>>) target(%dma_start3A_201 : memref<5504xf32, #tpu.memory_space<vmem_shared>>) target_semaphore(%run_scoped3A : memref<!tpu.dma_semaphore, #tpu.memory_space<semaphore_mem>>)
        %dma_wait3A = arith.constant 0 : i32
        %dma_wait3A_204 = tpu.memref_slice %arg9[%dma_wait3A] : memref<5504xf32, #tpu.memory_space<vmem>> -> memref<5504xf32, #tpu.memory_space<vmem>>
        %dma_wait3A_205 = tpu.memref_slice %arg10[%multiple_of3A_192] : memref<1001728xf32, #tpu.memory_space<vmem_shared>> -> memref<5504xf32, #tpu.memory_space<vmem_shared>>
        %dma_wait3A_206 = tpu.memref_slice %arg10[%multiple_of3A_192] : memref<1001728xf32, #tpu.memory_space<vmem_shared>> -> memref<5504xf32, #tpu.memory_space<vmem_shared>>
        %dma_wait3A_207 = arith.constant 0 : i32
        %dma_wait3A_208 = tpu.memref_slice %arg9[%dma_wait3A_207] : memref<5504xf32, #tpu.memory_space<vmem>> -> memref<5504xf32, #tpu.memory_space<vmem>>
        tpu.wait_dma2 semaphore(%run_scoped3A : memref<!tpu.dma_semaphore, #tpu.memory_space<semaphore_mem>>) src(%dma_wait3A_208 : memref<5504xf32, #tpu.memory_space<vmem>>) dst(%dma_wait3A_206 : memref<5504xf32, #tpu.memory_space<vmem_shared>>)
        tpu.yield
      }) : () -> ()
      %add3A_193 = arith.constant 55040 : i32
      %add3A_194 = arith.addi %multiple_of3A_162, %add3A_193 : i32
      %multiple_of3A_195 = tpu.assume_multiple %add3A_194, 128 : i32
      "tpu.region"() ({
        %run_scoped3A = tpu.sem_alloc : memref<!tpu.dma_semaphore, #tpu.memory_space<semaphore_mem>>
        %dma_start3A = arith.constant 0 : i32
        %dma_start3A_199 = tpu.memref_slice %arg9[%dma_start3A] : memref<5504xf32, #tpu.memory_space<vmem>> -> memref<5504xf32, #tpu.memory_space<vmem>>
        %dma_start3A_200 = tpu.memref_slice %arg10[%multiple_of3A_195] : memref<1001728xf32, #tpu.memory_space<vmem_shared>> -> memref<5504xf32, #tpu.memory_space<vmem_shared>>
        %dma_start3A_201 = tpu.memref_slice %arg10[%multiple_of3A_195] : memref<1001728xf32, #tpu.memory_space<vmem_shared>> -> memref<5504xf32, #tpu.memory_space<vmem_shared>>
        %dma_start3A_202 = arith.constant 0 : i32
        %dma_start3A_203 = tpu.memref_slice %arg9[%dma_start3A_202] : memref<5504xf32, #tpu.memory_space<vmem>> -> memref<5504xf32, #tpu.memory_space<vmem>>
        tpu.enqueue_dma source(%dma_start3A_203 : memref<5504xf32, #tpu.memory_space<vmem>>) target(%dma_start3A_201 : memref<5504xf32, #tpu.memory_space<vmem_shared>>) target_semaphore(%run_scoped3A : memref<!tpu.dma_semaphore, #tpu.memory_space<semaphore_mem>>)
        %dma_wait3A = arith.constant 0 : i32
        %dma_wait3A_204 = tpu.memref_slice %arg9[%dma_wait3A] : memref<5504xf32, #tpu.memory_space<vmem>> -> memref<5504xf32, #tpu.memory_space<vmem>>
        %dma_wait3A_205 = tpu.memref_slice %arg10[%multiple_of3A_195] : memref<1001728xf32, #tpu.memory_space<vmem_shared>> -> memref<5504xf32, #tpu.memory_space<vmem_shared>>
        %dma_wait3A_206 = tpu.memref_slice %arg10[%multiple_of3A_195] : memref<1001728xf32, #tpu.memory_space<vmem_shared>> -> memref<5504xf32, #tpu.memory_space<vmem_shared>>
        %dma_wait3A_207 = arith.constant 0 : i32
        %dma_wait3A_208 = tpu.memref_slice %arg9[%dma_wait3A_207] : memref<5504xf32, #tpu.memory_space<vmem>> -> memref<5504xf32, #tpu.memory_space<vmem>>
        tpu.wait_dma2 semaphore(%run_scoped3A : memref<!tpu.dma_semaphore, #tpu.memory_space<semaphore_mem>>) src(%dma_wait3A_208 : memref<5504xf32, #tpu.memory_space<vmem>>) dst(%dma_wait3A_206 : memref<5504xf32, #tpu.memory_space<vmem_shared>>)
        tpu.yield
      }) : () -> ()
      %add3A_196 = arith.constant 60544 : i32
      %add3A_197 = arith.addi %multiple_of3A_162, %add3A_196 : i32
      %multiple_of3A_198 = tpu.assume_multiple %add3A_197, 128 : i32
      "tpu.region"() ({
        %run_scoped3A = tpu.sem_alloc : memref<!tpu.dma_semaphore, #tpu.memory_space<semaphore_mem>>
        %dma_start3A = arith.constant 0 : i32
        %dma_start3A_199 = tpu.memref_slice %arg9[%dma_start3A] : memref<5504xf32, #tpu.memory_space<vmem>> -> memref<1664xf32, #tpu.memory_space<vmem>>
        %dma_start3A_200 = tpu.memref_slice %arg10[%multiple_of3A_198] : memref<1001728xf32, #tpu.memory_space<vmem_shared>> -> memref<1664xf32, #tpu.memory_space<vmem_shared>>
        %dma_start3A_201 = tpu.memref_slice %arg10[%multiple_of3A_198] : memref<1001728xf32, #tpu.memory_space<vmem_shared>> -> memref<1664xf32, #tpu.memory_space<vmem_shared>>
        %dma_start3A_202 = arith.constant 0 : i32
        %dma_start3A_203 = tpu.memref_slice %arg9[%dma_start3A_202] : memref<5504xf32, #tpu.memory_space<vmem>> -> memref<1664xf32, #tpu.memory_space<vmem>>
        tpu.enqueue_dma source(%dma_start3A_203 : memref<1664xf32, #tpu.memory_space<vmem>>) target(%dma_start3A_201 : memref<1664xf32, #tpu.memory_space<vmem_shared>>) target_semaphore(%run_scoped3A : memref<!tpu.dma_semaphore, #tpu.memory_space<semaphore_mem>>)
        %dma_wait3A = arith.constant 0 : i32
        %dma_wait3A_204 = tpu.memref_slice %arg9[%dma_wait3A] : memref<5504xf32, #tpu.memory_space<vmem>> -> memref<1664xf32, #tpu.memory_space<vmem>>
        %dma_wait3A_205 = tpu.memref_slice %arg10[%multiple_of3A_198] : memref<1001728xf32, #tpu.memory_space<vmem_shared>> -> memref<1664xf32, #tpu.memory_space<vmem_shared>>
        %dma_wait3A_206 = tpu.memref_slice %arg10[%multiple_of3A_198] : memref<1001728xf32, #tpu.memory_space<vmem_shared>> -> memref<1664xf32, #tpu.memory_space<vmem_shared>>
        %dma_wait3A_207 = arith.constant 0 : i32
        %dma_wait3A_208 = tpu.memref_slice %arg9[%dma_wait3A_207] : memref<5504xf32, #tpu.memory_space<vmem>> -> memref<1664xf32, #tpu.memory_space<vmem>>
        tpu.wait_dma2 semaphore(%run_scoped3A : memref<!tpu.dma_semaphore, #tpu.memory_space<semaphore_mem>>) src(%dma_wait3A_208 : memref<1664xf32, #tpu.memory_space<vmem>>) dst(%dma_wait3A_206 : memref<1664xf32, #tpu.memory_space<vmem_shared>>)
        tpu.yield
      }) : () -> ()
    } else {
    }
    %eq3A_103 = arith.constant 1 : i32
    %eq3A_104 = arith.cmpi eq, %arg0, %eq3A_103 : i32
    %eq3A_105 = arith.constant 15 : i32
    %eq3A_106 = arith.cmpi eq, %arg1, %eq3A_105 : i32
    %and3A_107 = arith.andi %eq3A_104, %eq3A_106 : i1
    %convert_element_type3A_108 = arith.extui %and3A_107 : i1 to i32
    %cond3A_109 = arith.constant 0 : i32
    %cond3A_110 = arith.cmpi ne, %convert_element_type3A_108, %cond3A_109 : i32
    scf.if %cond3A_110 {
      %multiple_of3A_160 = arith.constant 933120 : i32
      %multiple_of3A_161 = tpu.assume_multiple %multiple_of3A_160, 128 : i32
      "tpu.region"() ({
        %run_scoped3A = tpu.sem_alloc : memref<!tpu.dma_semaphore, #tpu.memory_space<semaphore_mem>>
        %dma_start3A = arith.constant 0 : i32
        %dma_start3A_184 = tpu.memref_slice %arg9[%dma_start3A] : memref<5504xf32, #tpu.memory_space<vmem>> -> memref<5504xf32, #tpu.memory_space<vmem>>
        %dma_start3A_185 = tpu.memref_slice %arg10[%multiple_of3A_161] : memref<1001728xf32, #tpu.memory_space<vmem_shared>> -> memref<5504xf32, #tpu.memory_space<vmem_shared>>
        %dma_start3A_186 = tpu.memref_slice %arg10[%multiple_of3A_161] : memref<1001728xf32, #tpu.memory_space<vmem_shared>> -> memref<5504xf32, #tpu.memory_space<vmem_shared>>
        %dma_start3A_187 = arith.constant 0 : i32
        %dma_start3A_188 = tpu.memref_slice %arg9[%dma_start3A_187] : memref<5504xf32, #tpu.memory_space<vmem>> -> memref<5504xf32, #tpu.memory_space<vmem>>
        tpu.enqueue_dma source(%dma_start3A_188 : memref<5504xf32, #tpu.memory_space<vmem>>) target(%dma_start3A_186 : memref<5504xf32, #tpu.memory_space<vmem_shared>>) target_semaphore(%run_scoped3A : memref<!tpu.dma_semaphore, #tpu.memory_space<semaphore_mem>>)
        %dma_wait3A = arith.constant 0 : i32
        %dma_wait3A_189 = tpu.memref_slice %arg9[%dma_wait3A] : memref<5504xf32, #tpu.memory_space<vmem>> -> memref<5504xf32, #tpu.memory_space<vmem>>
        %dma_wait3A_190 = tpu.memref_slice %arg10[%multiple_of3A_161] : memref<1001728xf32, #tpu.memory_space<vmem_shared>> -> memref<5504xf32, #tpu.memory_space<vmem_shared>>
        %dma_wait3A_191 = tpu.memref_slice %arg10[%multiple_of3A_161] : memref<1001728xf32, #tpu.memory_space<vmem_shared>> -> memref<5504xf32, #tpu.memory_space<vmem_shared>>
        %dma_wait3A_192 = arith.constant 0 : i32
        %dma_wait3A_193 = tpu.memref_slice %arg9[%dma_wait3A_192] : memref<5504xf32, #tpu.memory_space<vmem>> -> memref<5504xf32, #tpu.memory_space<vmem>>
        tpu.wait_dma2 semaphore(%run_scoped3A : memref<!tpu.dma_semaphore, #tpu.memory_space<semaphore_mem>>) src(%dma_wait3A_193 : memref<5504xf32, #tpu.memory_space<vmem>>) dst(%dma_wait3A_191 : memref<5504xf32, #tpu.memory_space<vmem_shared>>)
        tpu.yield
      }) : () -> ()
      %multiple_of3A_162 = arith.constant 938624 : i32
      %multiple_of3A_163 = tpu.assume_multiple %multiple_of3A_162, 128 : i32
      "tpu.region"() ({
        %run_scoped3A = tpu.sem_alloc : memref<!tpu.dma_semaphore, #tpu.memory_space<semaphore_mem>>
        %dma_start3A = arith.constant 0 : i32
        %dma_start3A_184 = tpu.memref_slice %arg9[%dma_start3A] : memref<5504xf32, #tpu.memory_space<vmem>> -> memref<5504xf32, #tpu.memory_space<vmem>>
        %dma_start3A_185 = tpu.memref_slice %arg10[%multiple_of3A_163] : memref<1001728xf32, #tpu.memory_space<vmem_shared>> -> memref<5504xf32, #tpu.memory_space<vmem_shared>>
        %dma_start3A_186 = tpu.memref_slice %arg10[%multiple_of3A_163] : memref<1001728xf32, #tpu.memory_space<vmem_shared>> -> memref<5504xf32, #tpu.memory_space<vmem_shared>>
        %dma_start3A_187 = arith.constant 0 : i32
        %dma_start3A_188 = tpu.memref_slice %arg9[%dma_start3A_187] : memref<5504xf32, #tpu.memory_space<vmem>> -> memref<5504xf32, #tpu.memory_space<vmem>>
        tpu.enqueue_dma source(%dma_start3A_188 : memref<5504xf32, #tpu.memory_space<vmem>>) target(%dma_start3A_186 : memref<5504xf32, #tpu.memory_space<vmem_shared>>) target_semaphore(%run_scoped3A : memref<!tpu.dma_semaphore, #tpu.memory_space<semaphore_mem>>)
        %dma_wait3A = arith.constant 0 : i32
        %dma_wait3A_189 = tpu.memref_slice %arg9[%dma_wait3A] : memref<5504xf32, #tpu.memory_space<vmem>> -> memref<5504xf32, #tpu.memory_space<vmem>>
        %dma_wait3A_190 = tpu.memref_slice %arg10[%multiple_of3A_163] : memref<1001728xf32, #tpu.memory_space<vmem_shared>> -> memref<5504xf32, #tpu.memory_space<vmem_shared>>
        %dma_wait3A_191 = tpu.memref_slice %arg10[%multiple_of3A_163] : memref<1001728xf32, #tpu.memory_space<vmem_shared>> -> memref<5504xf32, #tpu.memory_space<vmem_shared>>
        %dma_wait3A_192 = arith.constant 0 : i32
        %dma_wait3A_193 = tpu.memref_slice %arg9[%dma_wait3A_192] : memref<5504xf32, #tpu.memory_space<vmem>> -> memref<5504xf32, #tpu.memory_space<vmem>>
        tpu.wait_dma2 semaphore(%run_scoped3A : memref<!tpu.dma_semaphore, #tpu.memory_space<semaphore_mem>>) src(%dma_wait3A_193 : memref<5504xf32, #tpu.memory_space<vmem>>) dst(%dma_wait3A_191 : memref<5504xf32, #tpu.memory_space<vmem_shared>>)
        tpu.yield
      }) : () -> ()
      %multiple_of3A_164 = arith.constant 944128 : i32
      %multiple_of3A_165 = tpu.assume_multiple %multiple_of3A_164, 128 : i32
      "tpu.region"() ({
        %run_scoped3A = tpu.sem_alloc : memref<!tpu.dma_semaphore, #tpu.memory_space<semaphore_mem>>
        %dma_start3A = arith.constant 0 : i32
        %dma_start3A_184 = tpu.memref_slice %arg9[%dma_start3A] : memref<5504xf32, #tpu.memory_space<vmem>> -> memref<5504xf32, #tpu.memory_space<vmem>>
        %dma_start3A_185 = tpu.memref_slice %arg10[%multiple_of3A_165] : memref<1001728xf32, #tpu.memory_space<vmem_shared>> -> memref<5504xf32, #tpu.memory_space<vmem_shared>>
        %dma_start3A_186 = tpu.memref_slice %arg10[%multiple_of3A_165] : memref<1001728xf32, #tpu.memory_space<vmem_shared>> -> memref<5504xf32, #tpu.memory_space<vmem_shared>>
        %dma_start3A_187 = arith.constant 0 : i32
        %dma_start3A_188 = tpu.memref_slice %arg9[%dma_start3A_187] : memref<5504xf32, #tpu.memory_space<vmem>> -> memref<5504xf32, #tpu.memory_space<vmem>>
        tpu.enqueue_dma source(%dma_start3A_188 : memref<5504xf32, #tpu.memory_space<vmem>>) target(%dma_start3A_186 : memref<5504xf32, #tpu.memory_space<vmem_shared>>) target_semaphore(%run_scoped3A : memref<!tpu.dma_semaphore, #tpu.memory_space<semaphore_mem>>)
        %dma_wait3A = arith.constant 0 : i32
        %dma_wait3A_189 = tpu.memref_slice %arg9[%dma_wait3A] : memref<5504xf32, #tpu.memory_space<vmem>> -> memref<5504xf32, #tpu.memory_space<vmem>>
        %dma_wait3A_190 = tpu.memref_slice %arg10[%multiple_of3A_165] : memref<1001728xf32, #tpu.memory_space<vmem_shared>> -> memref<5504xf32, #tpu.memory_space<vmem_shared>>
        %dma_wait3A_191 = tpu.memref_slice %arg10[%multiple_of3A_165] : memref<1001728xf32, #tpu.memory_space<vmem_shared>> -> memref<5504xf32, #tpu.memory_space<vmem_shared>>
        %dma_wait3A_192 = arith.constant 0 : i32
        %dma_wait3A_193 = tpu.memref_slice %arg9[%dma_wait3A_192] : memref<5504xf32, #tpu.memory_space<vmem>> -> memref<5504xf32, #tpu.memory_space<vmem>>
        tpu.wait_dma2 semaphore(%run_scoped3A : memref<!tpu.dma_semaphore, #tpu.memory_space<semaphore_mem>>) src(%dma_wait3A_193 : memref<5504xf32, #tpu.memory_space<vmem>>) dst(%dma_wait3A_191 : memref<5504xf32, #tpu.memory_space<vmem_shared>>)
        tpu.yield
      }) : () -> ()
      %multiple_of3A_166 = arith.constant 949632 : i32
      %multiple_of3A_167 = tpu.assume_multiple %multiple_of3A_166, 128 : i32
      "tpu.region"() ({
        %run_scoped3A = tpu.sem_alloc : memref<!tpu.dma_semaphore, #tpu.memory_space<semaphore_mem>>
        %dma_start3A = arith.constant 0 : i32
        %dma_start3A_184 = tpu.memref_slice %arg9[%dma_start3A] : memref<5504xf32, #tpu.memory_space<vmem>> -> memref<5504xf32, #tpu.memory_space<vmem>>
        %dma_start3A_185 = tpu.memref_slice %arg10[%multiple_of3A_167] : memref<1001728xf32, #tpu.memory_space<vmem_shared>> -> memref<5504xf32, #tpu.memory_space<vmem_shared>>
        %dma_start3A_186 = tpu.memref_slice %arg10[%multiple_of3A_167] : memref<1001728xf32, #tpu.memory_space<vmem_shared>> -> memref<5504xf32, #tpu.memory_space<vmem_shared>>
        %dma_start3A_187 = arith.constant 0 : i32
        %dma_start3A_188 = tpu.memref_slice %arg9[%dma_start3A_187] : memref<5504xf32, #tpu.memory_space<vmem>> -> memref<5504xf32, #tpu.memory_space<vmem>>
        tpu.enqueue_dma source(%dma_start3A_188 : memref<5504xf32, #tpu.memory_space<vmem>>) target(%dma_start3A_186 : memref<5504xf32, #tpu.memory_space<vmem_shared>>) target_semaphore(%run_scoped3A : memref<!tpu.dma_semaphore, #tpu.memory_space<semaphore_mem>>)
        %dma_wait3A = arith.constant 0 : i32
        %dma_wait3A_189 = tpu.memref_slice %arg9[%dma_wait3A] : memref<5504xf32, #tpu.memory_space<vmem>> -> memref<5504xf32, #tpu.memory_space<vmem>>
        %dma_wait3A_190 = tpu.memref_slice %arg10[%multiple_of3A_167] : memref<1001728xf32, #tpu.memory_space<vmem_shared>> -> memref<5504xf32, #tpu.memory_space<vmem_shared>>
        %dma_wait3A_191 = tpu.memref_slice %arg10[%multiple_of3A_167] : memref<1001728xf32, #tpu.memory_space<vmem_shared>> -> memref<5504xf32, #tpu.memory_space<vmem_shared>>
        %dma_wait3A_192 = arith.constant 0 : i32
        %dma_wait3A_193 = tpu.memref_slice %arg9[%dma_wait3A_192] : memref<5504xf32, #tpu.memory_space<vmem>> -> memref<5504xf32, #tpu.memory_space<vmem>>
        tpu.wait_dma2 semaphore(%run_scoped3A : memref<!tpu.dma_semaphore, #tpu.memory_space<semaphore_mem>>) src(%dma_wait3A_193 : memref<5504xf32, #tpu.memory_space<vmem>>) dst(%dma_wait3A_191 : memref<5504xf32, #tpu.memory_space<vmem_shared>>)
        tpu.yield
      }) : () -> ()
      %multiple_of3A_168 = arith.constant 955136 : i32
      %multiple_of3A_169 = tpu.assume_multiple %multiple_of3A_168, 128 : i32
      "tpu.region"() ({
        %run_scoped3A = tpu.sem_alloc : memref<!tpu.dma_semaphore, #tpu.memory_space<semaphore_mem>>
        %dma_start3A = arith.constant 0 : i32
        %dma_start3A_184 = tpu.memref_slice %arg9[%dma_start3A] : memref<5504xf32, #tpu.memory_space<vmem>> -> memref<5504xf32, #tpu.memory_space<vmem>>
        %dma_start3A_185 = tpu.memref_slice %arg10[%multiple_of3A_169] : memref<1001728xf32, #tpu.memory_space<vmem_shared>> -> memref<5504xf32, #tpu.memory_space<vmem_shared>>
        %dma_start3A_186 = tpu.memref_slice %arg10[%multiple_of3A_169] : memref<1001728xf32, #tpu.memory_space<vmem_shared>> -> memref<5504xf32, #tpu.memory_space<vmem_shared>>
        %dma_start3A_187 = arith.constant 0 : i32
        %dma_start3A_188 = tpu.memref_slice %arg9[%dma_start3A_187] : memref<5504xf32, #tpu.memory_space<vmem>> -> memref<5504xf32, #tpu.memory_space<vmem>>
        tpu.enqueue_dma source(%dma_start3A_188 : memref<5504xf32, #tpu.memory_space<vmem>>) target(%dma_start3A_186 : memref<5504xf32, #tpu.memory_space<vmem_shared>>) target_semaphore(%run_scoped3A : memref<!tpu.dma_semaphore, #tpu.memory_space<semaphore_mem>>)
        %dma_wait3A = arith.constant 0 : i32
        %dma_wait3A_189 = tpu.memref_slice %arg9[%dma_wait3A] : memref<5504xf32, #tpu.memory_space<vmem>> -> memref<5504xf32, #tpu.memory_space<vmem>>
        %dma_wait3A_190 = tpu.memref_slice %arg10[%multiple_of3A_169] : memref<1001728xf32, #tpu.memory_space<vmem_shared>> -> memref<5504xf32, #tpu.memory_space<vmem_shared>>
        %dma_wait3A_191 = tpu.memref_slice %arg10[%multiple_of3A_169] : memref<1001728xf32, #tpu.memory_space<vmem_shared>> -> memref<5504xf32, #tpu.memory_space<vmem_shared>>
        %dma_wait3A_192 = arith.constant 0 : i32
        %dma_wait3A_193 = tpu.memref_slice %arg9[%dma_wait3A_192] : memref<5504xf32, #tpu.memory_space<vmem>> -> memref<5504xf32, #tpu.memory_space<vmem>>
        tpu.wait_dma2 semaphore(%run_scoped3A : memref<!tpu.dma_semaphore, #tpu.memory_space<semaphore_mem>>) src(%dma_wait3A_193 : memref<5504xf32, #tpu.memory_space<vmem>>) dst(%dma_wait3A_191 : memref<5504xf32, #tpu.memory_space<vmem_shared>>)
        tpu.yield
      }) : () -> ()
      %multiple_of3A_170 = arith.constant 960640 : i32
      %multiple_of3A_171 = tpu.assume_multiple %multiple_of3A_170, 128 : i32
      "tpu.region"() ({
        %run_scoped3A = tpu.sem_alloc : memref<!tpu.dma_semaphore, #tpu.memory_space<semaphore_mem>>
        %dma_start3A = arith.constant 0 : i32
        %dma_start3A_184 = tpu.memref_slice %arg9[%dma_start3A] : memref<5504xf32, #tpu.memory_space<vmem>> -> memref<5504xf32, #tpu.memory_space<vmem>>
        %dma_start3A_185 = tpu.memref_slice %arg10[%multiple_of3A_171] : memref<1001728xf32, #tpu.memory_space<vmem_shared>> -> memref<5504xf32, #tpu.memory_space<vmem_shared>>
        %dma_start3A_186 = tpu.memref_slice %arg10[%multiple_of3A_171] : memref<1001728xf32, #tpu.memory_space<vmem_shared>> -> memref<5504xf32, #tpu.memory_space<vmem_shared>>
        %dma_start3A_187 = arith.constant 0 : i32
        %dma_start3A_188 = tpu.memref_slice %arg9[%dma_start3A_187] : memref<5504xf32, #tpu.memory_space<vmem>> -> memref<5504xf32, #tpu.memory_space<vmem>>
        tpu.enqueue_dma source(%dma_start3A_188 : memref<5504xf32, #tpu.memory_space<vmem>>) target(%dma_start3A_186 : memref<5504xf32, #tpu.memory_space<vmem_shared>>) target_semaphore(%run_scoped3A : memref<!tpu.dma_semaphore, #tpu.memory_space<semaphore_mem>>)
        %dma_wait3A = arith.constant 0 : i32
        %dma_wait3A_189 = tpu.memref_slice %arg9[%dma_wait3A] : memref<5504xf32, #tpu.memory_space<vmem>> -> memref<5504xf32, #tpu.memory_space<vmem>>
        %dma_wait3A_190 = tpu.memref_slice %arg10[%multiple_of3A_171] : memref<1001728xf32, #tpu.memory_space<vmem_shared>> -> memref<5504xf32, #tpu.memory_space<vmem_shared>>
        %dma_wait3A_191 = tpu.memref_slice %arg10[%multiple_of3A_171] : memref<1001728xf32, #tpu.memory_space<vmem_shared>> -> memref<5504xf32, #tpu.memory_space<vmem_shared>>
        %dma_wait3A_192 = arith.constant 0 : i32
        %dma_wait3A_193 = tpu.memref_slice %arg9[%dma_wait3A_192] : memref<5504xf32, #tpu.memory_space<vmem>> -> memref<5504xf32, #tpu.memory_space<vmem>>
        tpu.wait_dma2 semaphore(%run_scoped3A : memref<!tpu.dma_semaphore, #tpu.memory_space<semaphore_mem>>) src(%dma_wait3A_193 : memref<5504xf32, #tpu.memory_space<vmem>>) dst(%dma_wait3A_191 : memref<5504xf32, #tpu.memory_space<vmem_shared>>)
        tpu.yield
      }) : () -> ()
      %multiple_of3A_172 = arith.constant 966144 : i32
      %multiple_of3A_173 = tpu.assume_multiple %multiple_of3A_172, 128 : i32
      "tpu.region"() ({
        %run_scoped3A = tpu.sem_alloc : memref<!tpu.dma_semaphore, #tpu.memory_space<semaphore_mem>>
        %dma_start3A = arith.constant 0 : i32
        %dma_start3A_184 = tpu.memref_slice %arg9[%dma_start3A] : memref<5504xf32, #tpu.memory_space<vmem>> -> memref<5504xf32, #tpu.memory_space<vmem>>
        %dma_start3A_185 = tpu.memref_slice %arg10[%multiple_of3A_173] : memref<1001728xf32, #tpu.memory_space<vmem_shared>> -> memref<5504xf32, #tpu.memory_space<vmem_shared>>
        %dma_start3A_186 = tpu.memref_slice %arg10[%multiple_of3A_173] : memref<1001728xf32, #tpu.memory_space<vmem_shared>> -> memref<5504xf32, #tpu.memory_space<vmem_shared>>
        %dma_start3A_187 = arith.constant 0 : i32
        %dma_start3A_188 = tpu.memref_slice %arg9[%dma_start3A_187] : memref<5504xf32, #tpu.memory_space<vmem>> -> memref<5504xf32, #tpu.memory_space<vmem>>
        tpu.enqueue_dma source(%dma_start3A_188 : memref<5504xf32, #tpu.memory_space<vmem>>) target(%dma_start3A_186 : memref<5504xf32, #tpu.memory_space<vmem_shared>>) target_semaphore(%run_scoped3A : memref<!tpu.dma_semaphore, #tpu.memory_space<semaphore_mem>>)
        %dma_wait3A = arith.constant 0 : i32
        %dma_wait3A_189 = tpu.memref_slice %arg9[%dma_wait3A] : memref<5504xf32, #tpu.memory_space<vmem>> -> memref<5504xf32, #tpu.memory_space<vmem>>
        %dma_wait3A_190 = tpu.memref_slice %arg10[%multiple_of3A_173] : memref<1001728xf32, #tpu.memory_space<vmem_shared>> -> memref<5504xf32, #tpu.memory_space<vmem_shared>>
        %dma_wait3A_191 = tpu.memref_slice %arg10[%multiple_of3A_173] : memref<1001728xf32, #tpu.memory_space<vmem_shared>> -> memref<5504xf32, #tpu.memory_space<vmem_shared>>
        %dma_wait3A_192 = arith.constant 0 : i32
        %dma_wait3A_193 = tpu.memref_slice %arg9[%dma_wait3A_192] : memref<5504xf32, #tpu.memory_space<vmem>> -> memref<5504xf32, #tpu.memory_space<vmem>>
        tpu.wait_dma2 semaphore(%run_scoped3A : memref<!tpu.dma_semaphore, #tpu.memory_space<semaphore_mem>>) src(%dma_wait3A_193 : memref<5504xf32, #tpu.memory_space<vmem>>) dst(%dma_wait3A_191 : memref<5504xf32, #tpu.memory_space<vmem_shared>>)
        tpu.yield
      }) : () -> ()
      %multiple_of3A_174 = arith.constant 971648 : i32
      %multiple_of3A_175 = tpu.assume_multiple %multiple_of3A_174, 128 : i32
      "tpu.region"() ({
        %run_scoped3A = tpu.sem_alloc : memref<!tpu.dma_semaphore, #tpu.memory_space<semaphore_mem>>
        %dma_start3A = arith.constant 0 : i32
        %dma_start3A_184 = tpu.memref_slice %arg9[%dma_start3A] : memref<5504xf32, #tpu.memory_space<vmem>> -> memref<5504xf32, #tpu.memory_space<vmem>>
        %dma_start3A_185 = tpu.memref_slice %arg10[%multiple_of3A_175] : memref<1001728xf32, #tpu.memory_space<vmem_shared>> -> memref<5504xf32, #tpu.memory_space<vmem_shared>>
        %dma_start3A_186 = tpu.memref_slice %arg10[%multiple_of3A_175] : memref<1001728xf32, #tpu.memory_space<vmem_shared>> -> memref<5504xf32, #tpu.memory_space<vmem_shared>>
        %dma_start3A_187 = arith.constant 0 : i32
        %dma_start3A_188 = tpu.memref_slice %arg9[%dma_start3A_187] : memref<5504xf32, #tpu.memory_space<vmem>> -> memref<5504xf32, #tpu.memory_space<vmem>>
        tpu.enqueue_dma source(%dma_start3A_188 : memref<5504xf32, #tpu.memory_space<vmem>>) target(%dma_start3A_186 : memref<5504xf32, #tpu.memory_space<vmem_shared>>) target_semaphore(%run_scoped3A : memref<!tpu.dma_semaphore, #tpu.memory_space<semaphore_mem>>)
        %dma_wait3A = arith.constant 0 : i32
        %dma_wait3A_189 = tpu.memref_slice %arg9[%dma_wait3A] : memref<5504xf32, #tpu.memory_space<vmem>> -> memref<5504xf32, #tpu.memory_space<vmem>>
        %dma_wait3A_190 = tpu.memref_slice %arg10[%multiple_of3A_175] : memref<1001728xf32, #tpu.memory_space<vmem_shared>> -> memref<5504xf32, #tpu.memory_space<vmem_shared>>
        %dma_wait3A_191 = tpu.memref_slice %arg10[%multiple_of3A_175] : memref<1001728xf32, #tpu.memory_space<vmem_shared>> -> memref<5504xf32, #tpu.memory_space<vmem_shared>>
        %dma_wait3A_192 = arith.constant 0 : i32
        %dma_wait3A_193 = tpu.memref_slice %arg9[%dma_wait3A_192] : memref<5504xf32, #tpu.memory_space<vmem>> -> memref<5504xf32, #tpu.memory_space<vmem>>
        tpu.wait_dma2 semaphore(%run_scoped3A : memref<!tpu.dma_semaphore, #tpu.memory_space<semaphore_mem>>) src(%dma_wait3A_193 : memref<5504xf32, #tpu.memory_space<vmem>>) dst(%dma_wait3A_191 : memref<5504xf32, #tpu.memory_space<vmem_shared>>)
        tpu.yield
      }) : () -> ()
      %multiple_of3A_176 = arith.constant 977152 : i32
      %multiple_of3A_177 = tpu.assume_multiple %multiple_of3A_176, 128 : i32
      "tpu.region"() ({
        %run_scoped3A = tpu.sem_alloc : memref<!tpu.dma_semaphore, #tpu.memory_space<semaphore_mem>>
        %dma_start3A = arith.constant 0 : i32
        %dma_start3A_184 = tpu.memref_slice %arg9[%dma_start3A] : memref<5504xf32, #tpu.memory_space<vmem>> -> memref<5504xf32, #tpu.memory_space<vmem>>
        %dma_start3A_185 = tpu.memref_slice %arg10[%multiple_of3A_177] : memref<1001728xf32, #tpu.memory_space<vmem_shared>> -> memref<5504xf32, #tpu.memory_space<vmem_shared>>
        %dma_start3A_186 = tpu.memref_slice %arg10[%multiple_of3A_177] : memref<1001728xf32, #tpu.memory_space<vmem_shared>> -> memref<5504xf32, #tpu.memory_space<vmem_shared>>
        %dma_start3A_187 = arith.constant 0 : i32
        %dma_start3A_188 = tpu.memref_slice %arg9[%dma_start3A_187] : memref<5504xf32, #tpu.memory_space<vmem>> -> memref<5504xf32, #tpu.memory_space<vmem>>
        tpu.enqueue_dma source(%dma_start3A_188 : memref<5504xf32, #tpu.memory_space<vmem>>) target(%dma_start3A_186 : memref<5504xf32, #tpu.memory_space<vmem_shared>>) target_semaphore(%run_scoped3A : memref<!tpu.dma_semaphore, #tpu.memory_space<semaphore_mem>>)
        %dma_wait3A = arith.constant 0 : i32
        %dma_wait3A_189 = tpu.memref_slice %arg9[%dma_wait3A] : memref<5504xf32, #tpu.memory_space<vmem>> -> memref<5504xf32, #tpu.memory_space<vmem>>
        %dma_wait3A_190 = tpu.memref_slice %arg10[%multiple_of3A_177] : memref<1001728xf32, #tpu.memory_space<vmem_shared>> -> memref<5504xf32, #tpu.memory_space<vmem_shared>>
        %dma_wait3A_191 = tpu.memref_slice %arg10[%multiple_of3A_177] : memref<1001728xf32, #tpu.memory_space<vmem_shared>> -> memref<5504xf32, #tpu.memory_space<vmem_shared>>
        %dma_wait3A_192 = arith.constant 0 : i32
        %dma_wait3A_193 = tpu.memref_slice %arg9[%dma_wait3A_192] : memref<5504xf32, #tpu.memory_space<vmem>> -> memref<5504xf32, #tpu.memory_space<vmem>>
        tpu.wait_dma2 semaphore(%run_scoped3A : memref<!tpu.dma_semaphore, #tpu.memory_space<semaphore_mem>>) src(%dma_wait3A_193 : memref<5504xf32, #tpu.memory_space<vmem>>) dst(%dma_wait3A_191 : memref<5504xf32, #tpu.memory_space<vmem_shared>>)
        tpu.yield
      }) : () -> ()
      %multiple_of3A_178 = arith.constant 982656 : i32
      %multiple_of3A_179 = tpu.assume_multiple %multiple_of3A_178, 128 : i32
      "tpu.region"() ({
        %run_scoped3A = tpu.sem_alloc : memref<!tpu.dma_semaphore, #tpu.memory_space<semaphore_mem>>
        %dma_start3A = arith.constant 0 : i32
        %dma_start3A_184 = tpu.memref_slice %arg9[%dma_start3A] : memref<5504xf32, #tpu.memory_space<vmem>> -> memref<5504xf32, #tpu.memory_space<vmem>>
        %dma_start3A_185 = tpu.memref_slice %arg10[%multiple_of3A_179] : memref<1001728xf32, #tpu.memory_space<vmem_shared>> -> memref<5504xf32, #tpu.memory_space<vmem_shared>>
        %dma_start3A_186 = tpu.memref_slice %arg10[%multiple_of3A_179] : memref<1001728xf32, #tpu.memory_space<vmem_shared>> -> memref<5504xf32, #tpu.memory_space<vmem_shared>>
        %dma_start3A_187 = arith.constant 0 : i32
        %dma_start3A_188 = tpu.memref_slice %arg9[%dma_start3A_187] : memref<5504xf32, #tpu.memory_space<vmem>> -> memref<5504xf32, #tpu.memory_space<vmem>>
        tpu.enqueue_dma source(%dma_start3A_188 : memref<5504xf32, #tpu.memory_space<vmem>>) target(%dma_start3A_186 : memref<5504xf32, #tpu.memory_space<vmem_shared>>) target_semaphore(%run_scoped3A : memref<!tpu.dma_semaphore, #tpu.memory_space<semaphore_mem>>)
        %dma_wait3A = arith.constant 0 : i32
        %dma_wait3A_189 = tpu.memref_slice %arg9[%dma_wait3A] : memref<5504xf32, #tpu.memory_space<vmem>> -> memref<5504xf32, #tpu.memory_space<vmem>>
        %dma_wait3A_190 = tpu.memref_slice %arg10[%multiple_of3A_179] : memref<1001728xf32, #tpu.memory_space<vmem_shared>> -> memref<5504xf32, #tpu.memory_space<vmem_shared>>
        %dma_wait3A_191 = tpu.memref_slice %arg10[%multiple_of3A_179] : memref<1001728xf32, #tpu.memory_space<vmem_shared>> -> memref<5504xf32, #tpu.memory_space<vmem_shared>>
        %dma_wait3A_192 = arith.constant 0 : i32
        %dma_wait3A_193 = tpu.memref_slice %arg9[%dma_wait3A_192] : memref<5504xf32, #tpu.memory_space<vmem>> -> memref<5504xf32, #tpu.memory_space<vmem>>
        tpu.wait_dma2 semaphore(%run_scoped3A : memref<!tpu.dma_semaphore, #tpu.memory_space<semaphore_mem>>) src(%dma_wait3A_193 : memref<5504xf32, #tpu.memory_space<vmem>>) dst(%dma_wait3A_191 : memref<5504xf32, #tpu.memory_space<vmem_shared>>)
        tpu.yield
      }) : () -> ()
      %multiple_of3A_180 = arith.constant 988160 : i32
      %multiple_of3A_181 = tpu.assume_multiple %multiple_of3A_180, 128 : i32
      "tpu.region"() ({
        %run_scoped3A = tpu.sem_alloc : memref<!tpu.dma_semaphore, #tpu.memory_space<semaphore_mem>>
        %dma_start3A = arith.constant 0 : i32
        %dma_start3A_184 = tpu.memref_slice %arg9[%dma_start3A] : memref<5504xf32, #tpu.memory_space<vmem>> -> memref<5504xf32, #tpu.memory_space<vmem>>
        %dma_start3A_185 = tpu.memref_slice %arg10[%multiple_of3A_181] : memref<1001728xf32, #tpu.memory_space<vmem_shared>> -> memref<5504xf32, #tpu.memory_space<vmem_shared>>
        %dma_start3A_186 = tpu.memref_slice %arg10[%multiple_of3A_181] : memref<1001728xf32, #tpu.memory_space<vmem_shared>> -> memref<5504xf32, #tpu.memory_space<vmem_shared>>
        %dma_start3A_187 = arith.constant 0 : i32
        %dma_start3A_188 = tpu.memref_slice %arg9[%dma_start3A_187] : memref<5504xf32, #tpu.memory_space<vmem>> -> memref<5504xf32, #tpu.memory_space<vmem>>
        tpu.enqueue_dma source(%dma_start3A_188 : memref<5504xf32, #tpu.memory_space<vmem>>) target(%dma_start3A_186 : memref<5504xf32, #tpu.memory_space<vmem_shared>>) target_semaphore(%run_scoped3A : memref<!tpu.dma_semaphore, #tpu.memory_space<semaphore_mem>>)
        %dma_wait3A = arith.constant 0 : i32
        %dma_wait3A_189 = tpu.memref_slice %arg9[%dma_wait3A] : memref<5504xf32, #tpu.memory_space<vmem>> -> memref<5504xf32, #tpu.memory_space<vmem>>
        %dma_wait3A_190 = tpu.memref_slice %arg10[%multiple_of3A_181] : memref<1001728xf32, #tpu.memory_space<vmem_shared>> -> memref<5504xf32, #tpu.memory_space<vmem_shared>>
        %dma_wait3A_191 = tpu.memref_slice %arg10[%multiple_of3A_181] : memref<1001728xf32, #tpu.memory_space<vmem_shared>> -> memref<5504xf32, #tpu.memory_space<vmem_shared>>
        %dma_wait3A_192 = arith.constant 0 : i32
        %dma_wait3A_193 = tpu.memref_slice %arg9[%dma_wait3A_192] : memref<5504xf32, #tpu.memory_space<vmem>> -> memref<5504xf32, #tpu.memory_space<vmem>>
        tpu.wait_dma2 semaphore(%run_scoped3A : memref<!tpu.dma_semaphore, #tpu.memory_space<semaphore_mem>>) src(%dma_wait3A_193 : memref<5504xf32, #tpu.memory_space<vmem>>) dst(%dma_wait3A_191 : memref<5504xf32, #tpu.memory_space<vmem_shared>>)
        tpu.yield
      }) : () -> ()
      %multiple_of3A_182 = arith.constant 993664 : i32
      %multiple_of3A_183 = tpu.assume_multiple %multiple_of3A_182, 128 : i32
      "tpu.region"() ({
        %run_scoped3A = tpu.sem_alloc : memref<!tpu.dma_semaphore, #tpu.memory_space<semaphore_mem>>
        %dma_start3A = arith.constant 0 : i32
        %dma_start3A_184 = tpu.memref_slice %arg9[%dma_start3A] : memref<5504xf32, #tpu.memory_space<vmem>> -> memref<1920xf32, #tpu.memory_space<vmem>>
        %dma_start3A_185 = tpu.memref_slice %arg10[%multiple_of3A_183] : memref<1001728xf32, #tpu.memory_space<vmem_shared>> -> memref<1920xf32, #tpu.memory_space<vmem_shared>>
        %dma_start3A_186 = tpu.memref_slice %arg10[%multiple_of3A_183] : memref<1001728xf32, #tpu.memory_space<vmem_shared>> -> memref<1920xf32, #tpu.memory_space<vmem_shared>>
        %dma_start3A_187 = arith.constant 0 : i32
        %dma_start3A_188 = tpu.memref_slice %arg9[%dma_start3A_187] : memref<5504xf32, #tpu.memory_space<vmem>> -> memref<1920xf32, #tpu.memory_space<vmem>>
        tpu.enqueue_dma source(%dma_start3A_188 : memref<1920xf32, #tpu.memory_space<vmem>>) target(%dma_start3A_186 : memref<1920xf32, #tpu.memory_space<vmem_shared>>) target_semaphore(%run_scoped3A : memref<!tpu.dma_semaphore, #tpu.memory_space<semaphore_mem>>)
        %dma_wait3A = arith.constant 0 : i32
        %dma_wait3A_189 = tpu.memref_slice %arg9[%dma_wait3A] : memref<5504xf32, #tpu.memory_space<vmem>> -> memref<1920xf32, #tpu.memory_space<vmem>>
        %dma_wait3A_190 = tpu.memref_slice %arg10[%multiple_of3A_183] : memref<1001728xf32, #tpu.memory_space<vmem_shared>> -> memref<1920xf32, #tpu.memory_space<vmem_shared>>
        %dma_wait3A_191 = tpu.memref_slice %arg10[%multiple_of3A_183] : memref<1001728xf32, #tpu.memory_space<vmem_shared>> -> memref<1920xf32, #tpu.memory_space<vmem_shared>>
        %dma_wait3A_192 = arith.constant 0 : i32
        %dma_wait3A_193 = tpu.memref_slice %arg9[%dma_wait3A_192] : memref<5504xf32, #tpu.memory_space<vmem>> -> memref<1920xf32, #tpu.memory_space<vmem>>
        tpu.wait_dma2 semaphore(%run_scoped3A : memref<!tpu.dma_semaphore, #tpu.memory_space<semaphore_mem>>) src(%dma_wait3A_193 : memref<1920xf32, #tpu.memory_space<vmem>>) dst(%dma_wait3A_191 : memref<1920xf32, #tpu.memory_space<vmem_shared>>)
        tpu.yield
      }) : () -> ()
    } else {
    }
    %mul3A_111 = arith.constant 16 : i32
    %mul3A_112 = arith.muli %arg1, %mul3A_111 : i32
    %add3A_113 = arith.constant 1001472 : i32
    %add3A_114 = arith.addi %add3A_113, %mul3A_112 : i32
    %iota3A_115 = tpu.iota {dimensions = array<i32: 0>} : vector<16xi32>
    %add3A_116 = vector.broadcast %add3A_114 : i32 to vector<16xi32>
    %add3A_117 = arith.addi %add3A_116, %iota3A_115 : vector<16xi32>
    %scan3A_118 = arith.constant 0 : i32
    %scan3A_119 = arith.constant 0 : i32
    %scan3A_120 = arith.constant 784 : i32
    %scan3A_121 = arith.addi %scan3A_119, %scan3A_120 : i32
    %scan3A_122 = arith.constant 1 : i32
    scf.for %scan3A_160 = %scan3A_119 to %scan3A_121 step %scan3A_122  : i32 {
      %mul3A_161 = arith.constant 16 : i32
      %mul3A_162 = arith.muli %scan3A_160, %mul3A_161 : i32
      %multiple_of3A_163 = tpu.assume_multiple %mul3A_162, 16 : i32
      %mul3A_164 = arith.constant 16 : i32
      %mul3A_165 = arith.muli %scan3A_160, %mul3A_164 : i32
      %add3A_166 = arith.constant 0 : i32
      %add3A_167 = arith.addi %add3A_166, %mul3A_165 : i32
      %multiple_of3A_168 = tpu.assume_multiple %add3A_167, 16 : i32
      %get3A = arith.index_cast %multiple_of3A_168 : i32 to index
      %get3A_169 = tpu.vector_load %arg5[%get3A] {strides = array<i32>} : memref<25088xi32, #tpu.memory_space<vmem>>, vector<16xi32>,
      %get3A_170 = vector.shape_cast %get3A_169 : vector<16xi32> to vector<16xi32>
      %sub3A = vector.broadcast %select_n3A_88 : i32 to vector<16xi32>
      %sub3A_171 = arith.subi %get3A_170, %sub3A : vector<16xi32>
      %ge3A = arith.constant 0 : i32
      %ge3A_172 = vector.broadcast %ge3A : i32 to vector<16xi32>
      %ge3A_173 = arith.cmpi sge, %sub3A_171, %ge3A_172 : vector<16xi32>
      %lt3A_174 = vector.broadcast %select_n3A_93 : i32 to vector<16xi32>
      %lt3A_175 = arith.cmpi slt, %sub3A_171, %lt3A_174 : vector<16xi32>
      %and3A_176 = arith.andi %ge3A_173, %lt3A_175 : vector<16xi1>
      %select_n3A_177 = arith.select %and3A_176, %sub3A_171, %add3A_117 : vector<16xi1>, vector<16xi32>
      %swap3A = arith.index_cast %multiple_of3A_163 : i32 to index
      %swap3A_178 = tpu.vector_load %arg6[%swap3A] {strides = array<i32>} : memref<12544xi32, #tpu.memory_space<vmem>>, vector<16xi32>,
      %swap3A_179 = vector.shape_cast %swap3A_178 : vector<16xi32> to vector<16xi32>
      %swap3A_180 = vector.shape_cast %select_n3A_177 : vector<16xi32> to vector<16xi32>
      tpu.vector_store %arg6[%swap3A], %swap3A_180 {strides = array<i32>} : memref<12544xi32, #tpu.memory_space<vmem>>, vector<16xi32>,
    }
    %scan3A_123 = arith.constant 784 : i32
    %mul3A_124 = arith.constant 16 : i32
    %mul3A_125 = arith.muli %arg1, %mul3A_124 : i32
    %add3A_126 = arith.constant 1001472 : i32
    %add3A_127 = arith.addi %add3A_126, %mul3A_125 : i32
    %iota3A_128 = tpu.iota {dimensions = array<i32: 0>} : vector<16xi32>
    %add3A_129 = vector.broadcast %add3A_127 : i32 to vector<16xi32>
    %add3A_130 = arith.addi %add3A_129, %iota3A_128 : vector<16xi32>
    %scan3A_131 = arith.constant 0 : i32
    %scan3A_132 = arith.constant 0 : i32
    %scan3A_133 = arith.constant 784 : i32
    %scan3A_134 = arith.addi %scan3A_132, %scan3A_133 : i32
    %scan3A_135 = arith.constant 1 : i32
    scf.for %scan3A_160 = %scan3A_132 to %scan3A_134 step %scan3A_135  : i32 {
      %mul3A_161 = arith.constant 16 : i32
      %mul3A_162 = arith.muli %scan3A_160, %mul3A_161 : i32
      %multiple_of3A_163 = tpu.assume_multiple %mul3A_162, 16 : i32
      %mul3A_164 = arith.constant 16 : i32
      %mul3A_165 = arith.muli %scan3A_160, %mul3A_164 : i32
      %add3A_166 = arith.constant 12544 : i32
      %add3A_167 = arith.addi %add3A_166, %mul3A_165 : i32
      %multiple_of3A_168 = tpu.assume_multiple %add3A_167, 16 : i32
      %get3A = arith.index_cast %multiple_of3A_168 : i32 to index
      %get3A_169 = tpu.vector_load %arg5[%get3A] {strides = array<i32>} : memref<25088xi32, #tpu.memory_space<vmem>>, vector<16xi32>,
      %get3A_170 = vector.shape_cast %get3A_169 : vector<16xi32> to vector<16xi32>
      %sub3A = vector.broadcast %select_n3A_88 : i32 to vector<16xi32>
      %sub3A_171 = arith.subi %get3A_170, %sub3A : vector<16xi32>
      %ge3A = arith.constant 0 : i32
      %ge3A_172 = vector.broadcast %ge3A : i32 to vector<16xi32>
      %ge3A_173 = arith.cmpi sge, %sub3A_171, %ge3A_172 : vector<16xi32>
      %lt3A_174 = vector.broadcast %select_n3A_93 : i32 to vector<16xi32>
      %lt3A_175 = arith.cmpi slt, %sub3A_171, %lt3A_174 : vector<16xi32>
      %and3A_176 = arith.andi %ge3A_173, %lt3A_175 : vector<16xi1>
      %select_n3A_177 = arith.select %and3A_176, %sub3A_171, %add3A_130 : vector<16xi1>, vector<16xi32>
      %swap3A = arith.index_cast %multiple_of3A_163 : i32 to index
      %swap3A_178 = tpu.vector_load %arg7[%swap3A] {strides = array<i32>} : memref<12544xi32, #tpu.memory_space<vmem>>, vector<16xi32>,
      %swap3A_179 = vector.shape_cast %swap3A_178 : vector<16xi32> to vector<16xi32>
      %swap3A_180 = vector.shape_cast %select_n3A_177 : vector<16xi32> to vector<16xi32>
      tpu.vector_store %arg7[%swap3A], %swap3A_180 {strides = array<i32>} : memref<12544xi32, #tpu.memory_space<vmem>>, vector<16xi32>,
    }
    %scan3A_136 = arith.constant 784 : i32
    %barrier3A_137 = arith.constant 0 : index
    tpu.barrier barrier_id(%barrier3A_137)
    "tpu.region"() ({
      %run_scoped3A = tpu.sem_alloc : memref<!tpu.dma_semaphore, #tpu.memory_space<semaphore_mem>>
      %dma_start3A = arith.constant 0 : i32
      %dma_start3A_160 = tpu.memref_slice %arg10[%dma_start3A] : memref<1001728xf32, #tpu.memory_space<vmem_shared>> -> memref<1001728xf32, #tpu.memory_space<vmem_shared>>
      tpu.enqueue_indirect_dma source(%arg8 : memref<12544xf32, #tpu.memory_space<vmem>>) target(%dma_start3A_160 : memref<1001728xf32, #tpu.memory_space<vmem_shared>>) offsets(%arg6 : memref<12544xi32, #tpu.memory_space<vmem>>) semaphore(%run_scoped3A : memref<!tpu.dma_semaphore, #tpu.memory_space<semaphore_mem>>) {add = true}
      %dma_wait3A = arith.constant 0 : i32
      %dma_wait3A_161 = tpu.memref_slice %arg10[%dma_wait3A] : memref<1001728xf32, #tpu.memory_space<vmem_shared>> -> memref<1001728xf32, #tpu.memory_space<vmem_shared>>
      tpu.wait_indirect_dma semaphore(%run_scoped3A : memref<!tpu.dma_semaphore, #tpu.memory_space<semaphore_mem>>) src(%arg8 : memref<12544xf32, #tpu.memory_space<vmem>>) dst(%dma_wait3A_161 : memref<1001728xf32, #tpu.memory_space<vmem_shared>>)
      tpu.yield
    }) : () -> ()
    "tpu.region"() ({
      %run_scoped3A = tpu.sem_alloc : memref<!tpu.dma_semaphore, #tpu.memory_space<semaphore_mem>>
      %dma_start3A = arith.constant 0 : i32
      %dma_start3A_160 = tpu.memref_slice %arg10[%dma_start3A] : memref<1001728xf32, #tpu.memory_space<vmem_shared>> -> memref<1001728xf32, #tpu.memory_space<vmem_shared>>
      tpu.enqueue_indirect_dma source(%arg8 : memref<12544xf32, #tpu.memory_space<vmem>>) target(%dma_start3A_160 : memref<1001728xf32, #tpu.memory_space<vmem_shared>>) offsets(%arg7 : memref<12544xi32, #tpu.memory_space<vmem>>) semaphore(%run_scoped3A : memref<!tpu.dma_semaphore, #tpu.memory_space<semaphore_mem>>) {add = true}
      %dma_wait3A = arith.constant 0 : i32
      %dma_wait3A_161 = tpu.memref_slice %arg10[%dma_wait3A] : memref<1001728xf32, #tpu.memory_space<vmem_shared>> -> memref<1001728xf32, #tpu.memory_space<vmem_shared>>
      tpu.wait_indirect_dma semaphore(%run_scoped3A : memref<!tpu.dma_semaphore, #tpu.memory_space<semaphore_mem>>) src(%arg8 : memref<12544xf32, #tpu.memory_space<vmem>>) dst(%dma_wait3A_161 : memref<1001728xf32, #tpu.memory_space<vmem_shared>>)
      tpu.yield
    }) : () -> ()
    %barrier3A_138 = arith.constant 0 : index
    tpu.barrier barrier_id(%barrier3A_138)
    %eq3A_139 = arith.constant 0 : i32
    %eq3A_140 = arith.cmpi eq, %arg0, %eq3A_139 : i32
    %convert_element_type3A_141 = arith.extui %eq3A_140 : i1 to i32
    %cond3A_142 = arith.constant 0 : i32
    %cond3A_143 = arith.cmpi ne, %convert_element_type3A_141, %cond3A_142 : i32
    scf.if %cond3A_143 {
      %mul3A_160 = arith.constant 62592 : i32
      %mul3A_161 = arith.muli %arg1, %mul3A_160 : i32
      %multiple_of3A_162 = tpu.assume_multiple %mul3A_161, 128 : i32
      %mul3A_163 = arith.constant 62592 : i32
      %mul3A_164 = arith.muli %arg1, %mul3A_163 : i32
      %add3A_165 = arith.addi %select_n3A_88, %mul3A_164 : i32
      %multiple_of3A_166 = tpu.assume_multiple %add3A_165, 128 : i32
      "tpu.region"() ({
        %run_scoped3A = tpu.sem_alloc : memref<!tpu.dma_semaphore, #tpu.memory_space<semaphore_mem>>
        %dma_start3A = tpu.memref_slice %arg4[%multiple_of3A_166] : memref<4000000xf32, #tpu.memory_space<hbm>> -> memref<62592xf32, #tpu.memory_space<hbm>>
        %dma_start3A_167 = tpu.memref_slice %arg10[%multiple_of3A_162] : memref<1001728xf32, #tpu.memory_space<vmem_shared>> -> memref<62592xf32, #tpu.memory_space<vmem_shared>>
        tpu.enqueue_dma source(%dma_start3A_167 : memref<62592xf32, #tpu.memory_space<vmem_shared>>) target(%dma_start3A : memref<62592xf32, #tpu.memory_space<hbm>>) target_semaphore(%run_scoped3A : memref<!tpu.dma_semaphore, #tpu.memory_space<semaphore_mem>>)
        %dma_wait3A = tpu.memref_slice %arg4[%multiple_of3A_166] : memref<4000000xf32, #tpu.memory_space<hbm>> -> memref<62592xf32, #tpu.memory_space<hbm>>
        %dma_wait3A_168 = tpu.memref_slice %arg10[%multiple_of3A_162] : memref<1001728xf32, #tpu.memory_space<vmem_shared>> -> memref<62592xf32, #tpu.memory_space<vmem_shared>>
        tpu.wait_dma2 semaphore(%run_scoped3A : memref<!tpu.dma_semaphore, #tpu.memory_space<semaphore_mem>>) src(%dma_wait3A_168 : memref<62592xf32, #tpu.memory_space<vmem_shared>>) dst(%dma_wait3A : memref<62592xf32, #tpu.memory_space<hbm>>)
        tpu.yield
      }) : () -> ()
    } else {
    }
    %eq3A_144 = arith.constant 1 : i32
    %eq3A_145 = arith.cmpi eq, %arg0, %eq3A_144 : i32
    %lt3A_146 = arith.constant 15 : i32
    %lt3A_147 = arith.cmpi slt, %arg1, %lt3A_146 : i32
    %and3A_148 = arith.andi %eq3A_145, %lt3A_147 : i1
    %convert_element_type3A_149 = arith.extui %and3A_148 : i1 to i32
    %cond3A_150 = arith.constant 0 : i32
    %cond3A_151 = arith.cmpi ne, %convert_element_type3A_149, %cond3A_150 : i32
    scf.if %cond3A_151 {
      %mul3A_160 = arith.constant 62208 : i32
      %mul3A_161 = arith.muli %arg1, %mul3A_160 : i32
      %multiple_of3A_162 = tpu.assume_multiple %mul3A_161, 128 : i32
      %mul3A_163 = arith.constant 62208 : i32
      %mul3A_164 = arith.muli %arg1, %mul3A_163 : i32
      %add3A_165 = arith.addi %select_n3A_88, %mul3A_164 : i32
      %multiple_of3A_166 = tpu.assume_multiple %add3A_165, 128 : i32
      "tpu.region"() ({
        %run_scoped3A = tpu.sem_alloc : memref<!tpu.dma_semaphore, #tpu.memory_space<semaphore_mem>>
        %dma_start3A = tpu.memref_slice %arg4[%multiple_of3A_166] : memref<4000000xf32, #tpu.memory_space<hbm>> -> memref<62208xf32, #tpu.memory_space<hbm>>
        %dma_start3A_167 = tpu.memref_slice %arg10[%multiple_of3A_162] : memref<1001728xf32, #tpu.memory_space<vmem_shared>> -> memref<62208xf32, #tpu.memory_space<vmem_shared>>
        tpu.enqueue_dma source(%dma_start3A_167 : memref<62208xf32, #tpu.memory_space<vmem_shared>>) target(%dma_start3A : memref<62208xf32, #tpu.memory_space<hbm>>) target_semaphore(%run_scoped3A : memref<!tpu.dma_semaphore, #tpu.memory_space<semaphore_mem>>)
        %dma_wait3A = tpu.memref_slice %arg4[%multiple_of3A_166] : memref<4000000xf32, #tpu.memory_space<hbm>> -> memref<62208xf32, #tpu.memory_space<hbm>>
        %dma_wait3A_168 = tpu.memref_slice %arg10[%multiple_of3A_162] : memref<1001728xf32, #tpu.memory_space<vmem_shared>> -> memref<62208xf32, #tpu.memory_space<vmem_shared>>
        tpu.wait_dma2 semaphore(%run_scoped3A : memref<!tpu.dma_semaphore, #tpu.memory_space<semaphore_mem>>) src(%dma_wait3A_168 : memref<62208xf32, #tpu.memory_space<vmem_shared>>) dst(%dma_wait3A : memref<62208xf32, #tpu.memory_space<hbm>>)
        tpu.yield
      }) : () -> ()
    } else {
    }
    %eq3A_152 = arith.constant 1 : i32
    %eq3A_153 = arith.cmpi eq, %arg0, %eq3A_152 : i32
    %eq3A_154 = arith.constant 15 : i32
    %eq3A_155 = arith.cmpi eq, %arg1, %eq3A_154 : i32
    %and3A_156 = arith.andi %eq3A_153, %eq3A_155 : i1
    %convert_element_type3A_157 = arith.extui %and3A_156 : i1 to i32
    %cond3A_158 = arith.constant 0 : i32
    %cond3A_159 = arith.cmpi ne, %convert_element_type3A_157, %cond3A_158 : i32
    scf.if %cond3A_159 {
      %add3A_160 = arith.constant 933120 : i32
      %add3A_161 = arith.addi %select_n3A_88, %add3A_160 : i32
      %multiple_of3A_162 = tpu.assume_multiple %add3A_161, 128 : i32
      "tpu.region"() ({
        %run_scoped3A = tpu.sem_alloc : memref<!tpu.dma_semaphore, #tpu.memory_space<semaphore_mem>>
        %dma_start3A = tpu.memref_slice %arg4[%multiple_of3A_162] : memref<4000000xf32, #tpu.memory_space<hbm>> -> memref<62464xf32, #tpu.memory_space<hbm>>
        %dma_start3A_163 = arith.constant 933120 : i32
        %dma_start3A_164 = tpu.memref_slice %arg10[%dma_start3A_163] : memref<1001728xf32, #tpu.memory_space<vmem_shared>> -> memref<62464xf32, #tpu.memory_space<vmem_shared>>
        tpu.enqueue_dma source(%dma_start3A_164 : memref<62464xf32, #tpu.memory_space<vmem_shared>>) target(%dma_start3A : memref<62464xf32, #tpu.memory_space<hbm>>) target_semaphore(%run_scoped3A : memref<!tpu.dma_semaphore, #tpu.memory_space<semaphore_mem>>)
        %dma_wait3A = tpu.memref_slice %arg4[%multiple_of3A_162] : memref<4000000xf32, #tpu.memory_space<hbm>> -> memref<62464xf32, #tpu.memory_space<hbm>>
        %dma_wait3A_165 = arith.constant 933120 : i32
        %dma_wait3A_166 = tpu.memref_slice %arg10[%dma_wait3A_165] : memref<1001728xf32, #tpu.memory_space<vmem_shared>> -> memref<62464xf32, #tpu.memory_space<vmem_shared>>
        tpu.wait_dma2 semaphore(%run_scoped3A : memref<!tpu.dma_semaphore, #tpu.memory_space<semaphore_mem>>) src(%dma_wait3A_166 : memref<62464xf32, #tpu.memory_space<vmem_shared>>) dst(%dma_wait3A : memref<62464xf32, #tpu.memory_space<hbm>>)
        tpu.yield
      }) : () -> ()
    } else {
    }
    return
  }
}

module attributes {stable_mosaic.version = 14 : i64} {
  func.func @_dense_body(%arg0: i32, %arg1: memref<1x625x128xf32, #tpu.memory_space<vmem>>, %arg2: memref<1x625x128xf32, #tpu.memory_space<vmem>>, %arg3: memref<1x625x128xf32, #tpu.memory_space<vmem>>, %arg4: memref<1x625x128xf32, #tpu.memory_space<vmem>>) attributes {dimension_semantics = [#tpu.dimension_semantics<arbitrary>], iteration_bounds = array<i64: 50>, scalar_prefetch = 0 : i64, scratch_operands = 0 : i64, tpu.core_type = #tpu.core_type<tc>, window_params = [{transform_indices = @transform_0, window_bounds = array<i64: 1, 625, 128>}, {transform_indices = @transform_1, window_bounds = array<i64: 1, 625, 128>}, {transform_indices = @transform_2, window_bounds = array<i64: 1, 625, 128>}, {transform_indices = @transform_3, window_bounds = array<i64: 1, 625, 128>}]} {
    %get3A = arith.constant 0 : index
    %get3A_0 = arith.constant 0 : index
    %get3A_1 = arith.constant 0 : index
    %get3A_2 = vector.load %arg1[%get3A, %get3A_0, %get3A_1] : memref<1x625x128xf32, #tpu.memory_space<vmem>>, vector<1x625x128xf32>
    %logistic3A = arith.negf %get3A_2 : vector<1x625x128xf32>
    %logistic3A_3 = math.exp %logistic3A : vector<1x625x128xf32>
    %logistic3A_4 = arith.constant 1.000000e+00 : f32
    %logistic3A_5 = vector.broadcast %logistic3A_4 : f32 to vector<1x625x128xf32>
    %logistic3A_6 = arith.addf %logistic3A_5, %logistic3A_3 : vector<1x625x128xf32>
    %logistic3A_7 = arith.divf %logistic3A_5, %logistic3A_6 : vector<1x625x128xf32>
    %get3A_8 = arith.constant 0 : index
    %get3A_9 = arith.constant 0 : index
    %get3A_10 = arith.constant 0 : index
    %get3A_11 = vector.load %arg3[%get3A_8, %get3A_9, %get3A_10] : memref<1x625x128xf32, #tpu.memory_space<vmem>>, vector<1x625x128xf32>
    %get3A_12 = arith.constant 0 : index
    %get3A_13 = arith.constant 0 : index
    %get3A_14 = arith.constant 0 : index
    %get3A_15 = vector.load %arg2[%get3A_12, %get3A_13, %get3A_14] : memref<1x625x128xf32, #tpu.memory_space<vmem>>, vector<1x625x128xf32>
    %eq3A = arith.constant 0.000000e+00 : f32
    %eq3A_16 = vector.broadcast %eq3A : f32 to vector<1x625x128xf32>
    %eq3A_17 = arith.cmpf oeq, %get3A_15, %eq3A_16 : vector<1x625x128xf32>
    %jit3A = arith.constant 5.000000e-01 : f32
    %broadcast_in_dim3A = vector.broadcast %jit3A : f32 to vector<1x625x128xf32>
    %select_n3A = arith.select %eq3A_17, %logistic3A_7, %broadcast_in_dim3A : vector<1x625x128xi1>, vector<1x625x128xf32>
    %mul3A = arith.mulf %get3A_11, %select_n3A : vector<1x625x128xf32>
    %swap3A = arith.constant 0 : index
    %swap3A_18 = arith.constant 0 : index
    %swap3A_19 = arith.constant 0 : index
    %swap3A_20 = vector.load %arg4[%swap3A, %swap3A_18, %swap3A_19] : memref<1x625x128xf32, #tpu.memory_space<vmem>>, vector<1x625x128xf32>
    tpu.vector_store %arg4[%swap3A, %swap3A_18, %swap3A_19], %mul3A {strides = array<i32>} : memref<1x625x128xf32, #tpu.memory_space<vmem>>, vector<1x625x128xf32>,
    return
  }
  func.func @transform_0(%arg0: i32) -> (i32, i32, i32) {
    %c0_i32 = arith.constant 0 : i32
    %c0_i32_0 = arith.constant 0 : i32
    %c0_i32_1 = arith.constant 0 : i32
    return %arg0, %c0_i32, %c0_i32_0 : i32, i32, i32
  }
  func.func @transform_1(%arg0: i32) -> (i32, i32, i32) {
    %c0_i32 = arith.constant 0 : i32
    %c0_i32_0 = arith.constant 0 : i32
    %c0_i32_1 = arith.constant 0 : i32
    return %arg0, %c0_i32, %c0_i32_0 : i32, i32, i32
  }
  func.func @transform_2(%arg0: i32) -> (i32, i32, i32) {
    %c0_i32 = arith.constant 0 : i32
    %c0_i32_0 = arith.constant 0 : i32
    %c0_i32_1 = arith.constant 0 : i32
    return %arg0, %c0_i32, %c0_i32_0 : i32, i32, i32
  }
  func.func @transform_3(%arg0: i32) -> (i32, i32, i32) {
    %c0_i32 = arith.constant 0 : i32
    %c0_i32_0 = arith.constant 0 : i32
    %c0_i32_1 = arith.constant 0 : i32
    return %arg0, %c0_i32, %c0_i32_0 : i32, i32, i32
  }
}

</mosaic_0001>

<sc_bundles>
// kernel: kernel.4.cloned.1.call-start
scs
__scs_entry_jumppad:
0x0: {  	(pc) =	sbr.rel $0x88, $3  }
0x1: {  	(tag) =	ssettag $0x0;
	lr =	simm.s32 $0x1  }
0x2: {  	[smem:$0x3F9E] =	sst lr;
	_ =	strace $0xD0000000  }
0x3: {  	_ = 	snop  }
0x4: {  	_ = 	snop  }
0x5: {  	_ = 	snop  }
0x6: {  	_ = 	snop  }
0x7: {  	_ = 	snop  }
__scs_overlays_trampoline_lowered:
0x8: {  	[smem:$0x3FAD] =	sst s0  }
0x9: {  	[smem:$0x3FAE] =	sst s1  }
0xa: {  	[smem:$0x3FAF] =	sst s2  }
0xb: {  	[smem:$0x3FB0] =	sst s3  }
0xc: {  	[smem:$0x3FB1] =	sst s4  }
0xd: {  	[smem:$0x3FB2] =	sst s5  }
0xe: {  	[smem:$0x3FB3] =	sst s6  }
0xf: {  	[smem:$0x3FB4] =	sst s7  }
0x10: {  	[smem:$0x3FB5] =	sst s8  }
0x11: {  	[smem:$0x3FB6] =	sst s9;
	s0 =	simm.s32 @!p0 $0x0  }
0x12: {  	s1 =	sld [smem:$0x3F9C];
	s0 =	simm.s32 @p0 $0x1  }
0x13: {  	[smem:$0x3FB7] =	sst s0;
	s0 =	simm.s32 @!p1 $0x0  }
0x14: {  	s2 =	sld [smem:$0x3F9B];
	s0 =	simm.s32 @p1 $0x1  }
0x15: {  	[smem:$0x3FB8] =	sst s0;
	s0 =	simm.s32 @!p2 $0x0  }
0x16: {  	s3 =	sld [smem:$0x3FDB];
	s0 =	simm.s32 @p2 $0x1  }
0x17: {  	s4 =	simm.s32 $0x1BF5;
	[smem:$0x3FBA] =	sst s0  }
0x18: {  	s0 =	sld [smem:$0x3F9D];
	_ =	swait.ge [sflag:s4], $0x0  }
0x19: {  	s7 =	sld [smem:$0x3F9E]  }
0x1a: {  	s8 =	sadd.s32 $0xFFFFE003, lr  }
0x1b: {  	s9 =	sadd.s32 $0xFFFFFEF7, lr;
	s5 =	simm.s32 $0xFFFFFFFF;
	p2 =	slt.u32 s8, $0xFFFFF086  }
0x1c: {  	p1 =	slt.u32 s9, $0xF7A;
	s5 =	simm.s32 @!p2 $0x0  }
0x1d: {  	s5 =	simm.s32 @p1 $0x1;
	p0 =	seq.s32 s7, s2  }
0x1e: {  	s7 =	smul.u32 @!p0 $0xF7A, s2;
	p2 =	seq.s32 @!p0 s5, $0x0  }
0x1f: {  	s9 =	smul.u32 $0xF7A, s1;
	s8 =	simm.s32 @!p0 $0x1BF5;
	p2 =	por !p2, p0  }
0x20: {  	[sflag:s8] =	ssyncset.s32 @!p0 $0xFFFFF086;
	s6 =	sadd.s32 @!p0 s3, s7;
	s7 =	simm.s32 @!p0 $0x108  }
0x21: {  	s3 =	sadd.s32 s3, s9;
	s6 =	sadd.s32 @!p0 $0x88, s6;
	s7 =	simm.s32 @p2 $0x1082  }
0x22: {  	[simem:s7], [sflag:s8] =	dma.local @!p0 [hbm:s6], $0xF7A  }
0x23: {  	s9 =	sor.u32 $0xD0000000, s2;
	s6 =	simm.s32 $0x108;
	_ =	swait.ge @!p0 [sflag:s8], $0x0  }
0x24: {  	s3 =	sadd.s32 $0x88, s3;
	s6 =	simm.s32 @!p1 $0x1082;
	[sflag:s4] =	ssyncset.s32 $0xFFFFF086  }
0x25: {  	[simem:s6], [sflag:s4] =	dma.local [hbm:s3], $0xF7A  }
0x26: {  	[smem:$0x3F9E] =	sst s1;
	(tag) =	ssettag s2;
	_ =	strace s9  }
0x27: {  	s1 =	sld [smem:$0x3FAE]  }
0x28: {  	s2 =	sld [smem:$0x3FAF]  }
0x29: {  	s4 =	sld [smem:$0x3FB1]  }
0x2a: {  	p0 =	seq.s32 s5, $0x0;
	s5 =	sld [smem:$0x3FB2]  }
0x2b: {  	s6 =	sld [smem:$0x3FB3]  }
0x2c: {  	s7 =	sld [smem:$0x3FB4]  }
0x2d: {  	s3 =	simm.s32 $0x108;
	s8 =	sld [smem:$0x3FB5]  }
0x2e: {  	s3 =	simm.s32 @!p0 $0x1082;
	s9 =	sld [smem:$0x3FB6]  }
0x2f: {  	lr =	sadd.s32 s0, s3;
	s0 =	sld [smem:$0x3FAD]  }
0x30: {  	s3 =	sld [smem:$0x3FB0]  }
0x31: {  	[smem:$0x3FB9] =	sst s10  }
0x32: {  	s10 =	sld [smem:$0x3FB7];
	_ =	sdelay $0x3  }
0x33: {  	p0 =	seq.s32 s10, $0x1;
	s10 =	sld [smem:$0x3FB9];
	_ =	sdelay $0x3  }
0x34: {  	[smem:$0x3FB9] =	sst s10  }
0x35: {  	s10 =	sld [smem:$0x3FB8];
	_ =	sdelay $0x3  }
0x36: {  	p1 =	seq.s32 s10, $0x1;
	s10 =	sld [smem:$0x3FB9];
	_ =	sdelay $0x3  }
0x37: {  	[smem:$0x3FB9] =	sst s10  }
0x38: {  	s10 =	sld [smem:$0x3FBA]  }
0x39: {  	_ = 	snop;
	(pc) =	sbr.ind lr, $3  }
0x3a: {  	_ = 	snop  }
0x3b: {  	_ = 	snop  }
0x3c: {  	p2 =	seq.s32 s10, $0x1;
	s10 =	sld [smem:$0x3FB9]  }
0x3d: {  	_ =	shalt  }
0x3e: {  	_ =	shalt  }
0x3f: {  	_ =	shalt  }
0x40: {  	_ =	shalt  }
0x41: {  	_ =	shalt  }
0x42: {  	_ =	shalt  }
0x43: {  	_ =	shalt  }
0x44: {  	_ =	shalt  }
0x45: {  	_ =	shalt  }
0x46: {  	_ =	shalt  }
0x47: {  	_ =	shalt  }
0x48: {  	_ =	shalt  }
0x49: {  	_ =	shalt  }
0x4a: {  	_ =	shalt  }
0x4b: {  	_ =	shalt  }
0x4c: {  	_ =	shalt  }
0x4d: {  	_ =	shalt  }
0x4e: {  	_ =	shalt  }
0x4f: {  	_ =	shalt  }
0x50: {  	_ =	shalt  }
0x51: {  	_ =	shalt  }
0x52: {  	_ =	shalt  }
0x53: {  	_ =	shalt  }
0x54: {  	_ =	shalt  }
0x55: {  	_ =	shalt  }
0x56: {  	_ =	shalt  }
0x57: {  	_ =	shalt  }
0x58: {  	_ =	shalt  }
0x59: {  	_ =	shalt  }
0x5a: {  	_ =	shalt  }
0x5b: {  	_ =	shalt  }
0x5c: {  	_ =	shalt  }
0x5d: {  	_ =	shalt  }
0x5e: {  	_ =	shalt  }
0x5f: {  	_ =	shalt  }
0x60: {  	_ =	shalt  }
0x61: {  	_ =	shalt  }
0x62: {  	_ =	shalt  }
0x63: {  	_ =	shalt  }
0x64: {  	_ =	shalt  }
0x65: {  	_ =	shalt  }
0x66: {  	_ =	shalt  }
0x67: {  	_ =	shalt  }
0x68: {  	_ =	shalt  }
0x69: {  	_ =	shalt  }
0x6a: {  	_ =	shalt  }
0x6b: {  	_ =	shalt  }
0x6c: {  	_ =	shalt  }
0x6d: {  	_ =	shalt  }
0x6e: {  	_ =	shalt  }
0x6f: {  	_ =	shalt  }
0x70: {  	_ =	shalt  }
0x71: {  	_ =	shalt  }
0x72: {  	_ =	shalt  }
0x73: {  	_ =	shalt  }
0x74: {  	_ =	shalt  }
0x75: {  	_ =	shalt  }
0x76: {  	_ =	shalt  }
0x77: {  	_ =	shalt  }
0x78: {  	_ =	shalt  }
0x79: {  	_ =	shalt  }
0x7a: {  	_ =	shalt  }
0x7b: {  	_ =	shalt  }
0x7c: {  	_ =	shalt  }
0x7d: {  	_ =	shalt  }
0x7e: {  	_ =	shalt  }
0x7f: {  	_ =	shalt  }
0x80: {  	_ =	shalt  }
0x81: {  	_ =	shalt  }
0x82: {  	_ =	shalt  }
0x83: {  	_ =	shalt  }
0x84: {  	_ =	shalt  }
0x85: {  	_ =	shalt  }
0x86: {  	_ =	shalt  }
0x87: {  	_ =	shalt  }
.Lfunc_end0:
.L_simem_size_0:
called_computation_lowered:
.L_overlay_start_0:
0x88: {  	s2 =	sld [smem:$0x3FD9]  }
0x89: {  	s3 =	sld [smem:$0x3FFE];
	_ =	sdelay $0x1  }
0x8a: {  	s1 =	srdreg.scid  }
0x8b: {  	s0 =	sand.u32 $0x1, s1  }
0x8c: {  	s17 =	sshll.u32 s0, $0xA;
	s2 =	sadd.s32 s3, s2  }
0x8d: {  	s2 =	sadd.s32 s2, s17  }
0x8e: {  	[smem:$0x3FC5] =	sst s2  }
0x8f: {  	_ = 	snop  }
0x90: {  	s2 =	sld [smem:$0x3FD0];
	(tm) =	ssettm $0x1  }
0x91: {  	s18 =	sld [smem:$0x3FFB];
	_ =	sdelay $0x3  }
0x92: {  	_ =	strace s18  }
0x93: {  	s3 =	sld [smem:$0x3FFC];
	_ =	sdelay $0x3  }
0x94: {  	_ =	strace s3  }
0x95: {  	s3 =	sld [smem:$0x3FFD];
	_ =	sdelay $0x3  }
0x96: {  	_ =	strace s3  }
0x97: {  	_ =	strace $0x8FFFFFFF  }
0x98: {  	s19 =	sld [smem:$0x3FDB];
	_ =	sdelay $0x1  }
0x99: {  	s4 =	simm.s32 $_scs_section_size  }
0x9a: {  	s5 =	simm.s32 $_size__tile_overlayer_lowered;
	s6 =	simm.s32 $_tile_overlayer_lowered  }
0x9b: {  	s22 =	simm.s32 $0x1BFF;
	s21 =	sshll.u32 s6, $0x1;
	s3 =	sadd.s32 s4, s19  }
0x9c: {  	s7 =	simm.s32 $0x0;
	s20 =	sshll.u32 s5, $0x1;
	s5 =	sadd.s32 s21, s3  }
0x9d: {  	[timem:s7], [sflag:s22] =	dma.local [hbm:s5], s20  }
0x9e: {  	_ =	swait.ge [sflag:s22], s20  }
0x9f: {  	s4 =	ssub.s32 $0x0, s20;
	[sflag:s22] =	ssyncset.done $0x0  }
0xa0: {  	[sflag:s22] =	ssyncadd.s32 s4;
	_ =	sdelay $0x1  }
0xa1: {  	s23 =	simm.s32 $0x1B8B  }
0xa2: {  	_ =	swait.ge [sflag:s23], $0x1  }
0xa3: {  	[sflag:s23] =	ssyncset.done $0x0  }
0xa4: {  	s25 =	simm.s32 $0x1B8E;
	s24 =	sld [smem:$0x3FFE];
	[sflag:s23] =	ssyncadd.s32 $0xFFFFFFFF  }
0xa5: {  	s26 =	simm.s32 $execute0_lowered;
	[smem:$0x3FD2] =	sst s25  }
0xa6: {  	s5 =	sshll.u32 s26, $0x1;
	_ =	strace $0x80000046;
	[dreg:$0x1] =	wrdreg $0xFFFFFFFF  }
0xa7: {  	s28 =	simm.s32 $_size_execute0_lowered;
	s3 =	sadd.s32 s3, s5;
	[dreg:$0x0] =	wrdreg $0x0  }
0xa8: {  	s5 =	sshll.u32 s28, $0x1;
	[dreg:$0x2] =	wrdreg s3  }
0xa9: {  	[dreg:$0x3] =	wrdreg s5  }
0xaa: {  	[dreg:$0x4] =	wrdreg $0xC0  }
0xab: {  	_ =	task [dreg:s7], $0x5FFFF  }
0xac: {  	[dreg:$0x1] =	wrdreg $0xFFFFFFFF  }
0xad: {  	[dreg:$0x0] =	wrdreg $0x60  }
0xae: {  	[dreg:$0x2] =	wrdreg s24  }
0xaf: {  	[dreg:$0x3] =	wrdreg s2  }
0xb0: {  	[dreg:$0x4] =	wrdreg $0x10A800  }
0xb1: {  	[dreg:$0x5] =	wrdreg $0x9  }
0xb2: {  	_ =	task.clear_ibuf [dreg:s7], $0x6FFFF;
	_ =	strace $0x90000046  }
0xb3: {  	s29 =	simm.s32 $0x9;
	_ =	strace $0x80000048  }
0xb4: {  	_ =	swait.ge [sflag:s29], $0x1  }
0xb5: {  	[sflag:s29] =	ssyncadd.s32 $0xFFFFFFFF  }
0xb6: {  	_ =	strace $0x90000048  }
0xb7: {  	_ =	sfence  }
0xb8: {  	s30 =	sld [smem:$0x0];
	_ =	sdelay $0x2  }
0xb9: {  	s31 =	sshll.u32 s1, $0xD;
	s1 =	sshrl.u32 s1, $0x2  }
0xba: {  	s3 =	sand.u32 $0x4000, s31;
	s1 =	sadd.s32 s1, s30  }
0xbb: {  	s0 =	sor.u32 s3, s0;
	s1 =	sshll.u32 s1, $0x11  }
0xbc: {  	s0 =	sor.u32 s1, s0  }
0xbd: {  	s0 =	sadd.s32 $0x8F2B, s0  }
0xbe: {  	[sflag:s0] =	ssyncadd.remote.s32 $0x1  }
0xbf: {  	_ =	sfence.sel $0xFFFF  }
0xc0: {  	[dreg:$0x0] =	wrdreg $0xFFFFFFFF;
	(pc) =	sbr.abs _section_cstart, $3  }
0xc1: {  	[dreg:$0x1] =	wrdreg $0xFFFFFFFF  }
0xc2: {  	_ =	task.clear_ibuf [dreg:s7], $0x2FFFF;
	_ =	strace $0x9FFFFFFF  }
0xc3: {  	(tm) =	ssettm $0x7FFFFFFF  }
tec
execute0_lowered:
.L_overlay_start_1:
0x0: {  	(tag) =	ssettag $0x1  }
0x1: {  	s0 =	rddreg [dreg:$0x0]  }
0x2: {  	s1 =	rddreg [dreg:$0x1]  }
0x3: {  	s2 =	rddreg [dreg:$0x2];
	s4 =	simm.s32 $0x0;
	s20 =	stileid.u32  }
0x4: {  	s3 =	srdreg.scid;
	s14 =	simm.s32 $0x1E9000;
	s15 =	simm.s32 $0xF4800  }
0x5: {  	[smem:$0x7FF] =	sst s4;
	s22 =	smul.u32 $0xC40, s20;
	s5 =	sand.u32 $0x1, s3  }
0x6: {  	s23 =	sadd.s32 $0xE800, s0;
	s16 =	smul.u32 $0xF480, s20;
	s17 =	sshll.u32 s20, $0x4  }
0x7: {  	s28 =	smul.u32 $0xF300, s20;
	p1 =	sne.s32 s20, $0xF;
	p2 =	seq.s32 s20, $0xF  }
0x8: {  	_ =	strace $0x80000047;
	[dreg:$0x4] =	wrdreg s23;
	s24 =	ssub.s32 $0x2, s5  }
0x9: {  	s6 =	ssub.s32 $0x0, s5;
	p0 =	seq.s32 s5, $0x0;
	p6 =	seq.s32 s5, $0x1  }
0xa: {  	s0 =	sadd.s32 s22, s0;
	s25 =	sshrl.u32 s24, $0x1;
	s3 =	sand.u32 $0xF4800, s6  }
0xb: {  	s6 =	sadd.s32 s16, s2;
	s14 =	simm.s32 @!p0 $0x2DD800;
	s15 =	simm.s32 @!p0 $0xF3100  }
0xc: {  	s22 =	smul.u32 $0x3CC00, s20;
	p1 =	por !p1, !p6;
	p2 =	por !p2, !p6  }
0xd: {  	p0 =	sne.s32 s5, $0x0;
	s5 =	sor.u32 $0xF4800, s17;
	s20 =	sadd.s32 $0xED380, s2  }
0xe: {  	s4 =	ssub.s32 s24, s25;
	s0 =	sadd.s32 $0x2400, s0;
	s7 =	sadd.s32 $0x1580, s6  }
0xf: {  	s8 =	sadd.s32 $0x2B00, s6;
	s9 =	sadd.s32 $0x4080, s6;
	s10 =	sadd.s32 $0x5600, s6  }
0x10: {  	s11 =	sadd.s32 $0x6B80, s6;
	s26 =	sadd.s32 s16, s3;
	s12 =	sadd.s32 $0x8100, s6  }
0x11: {  	s13 =	sadd.s32 $0x9680, s6;
	s16 =	sshrl.u32 s16, $0x3;
	s18 =	sadd.s32 s28, s14  }
0x12: {  	s21 =	sshrl.u32 s14, $0x3;
	p1 =	por !p1, !p1;
	[dreg:$0x12] =	wrdreg s20  }
0x13: {  	p2 =	por !p2, !p2;
	[dreg:$0x5] =	wrdreg s0;
	s25 =	smax.u32 s4, $0x1  }
0x14: {  	s0 =	sshrl.u32 s26, $0x3;
	s26 =	sadd.s32 $0xE5280, s2;
	[dreg:$0xa] =	wrdreg s25  }
0x15: {  	v1 =	vmov s3;
	s3 =	simm.s32 $0xC400;
	s4 =	sadd.s32 $0xE9300, s2;
	[dreg:$0xc] =	wrdreg s26  }
0x16: {  	s18 =	sshrl.u32 s18, $0x3;
	s0 =	sadd.s32 s1, s0;
	[dreg:$0xf] =	wrdreg s4  }
0x17: {  	v0 =	vlaneseq.u32;
	s19 =	sadd.s32 s1, s16;
	s16 =	sadd.s32 s1, s18;
	[dreg:$0x6] =	wrdreg s0  }
0x18: {  	v0 =	vor.u32 s5, v0;
	s5 =	simm.s32 $0x3100;
	s24 =	sadd.s32 $0x3D200, s19;
	[dreg:$0x7] =	wrdreg s16  }
0x19: {  	v2 =	vmov s14;
	s14 =	simm.s32 $0x6200;
	s18 =	sadd.s32 $0xEA880, s2;
	[dreg:$0x8] =	wrdreg s24  }
0x1a: {  	v3 =	vmov s15;
	s15 =	simm.s32 $0x9300;
	s19 =	sadd.s32 $0xEBE00, s2;
	[dreg:$0x10] =	wrdreg s18  }
0x1b: {  	s1 =	sadd.s32 s1, s21;
	s21 =	sadd.s32 $0xEE900, s2;
	[dreg:$0x11] =	wrdreg s19  }
0x1c: {  	s23 =	sshrl.u32 s22, $0x2;
	s26 =	sadd.s32 $0xEFE80, s2;
	[dreg:$0x13] =	wrdreg s21  }
0x1d: {  	s17 =	sadd.s32 s23, s2;
	s1 =	sadd.s32 $0x1C7A0, s1;
	[dreg:$0x14] =	wrdreg s26  }
0x1e: {  	s0 =	sadd.s32 s28, s2;
	s28 =	sadd.s32 $0xE6800, s2;
	[dreg:$0x9] =	wrdreg s1  }
0x1f: {  	p2 =	por !p2, p1;
	s4 =	sadd.s32 $0x1580, s17;
	[dreg:$0xd] =	wrdreg s28  }
0x20: {  	s22 =	sadd.s32 $0xC180, s6;
	s18 =	sadd.s32 $0x2B00, s17;
	[dreg:$0x17] =	wrdreg s4  }
0x21: {  	s23 =	sadd.s32 $0xD700, s6;
	s19 =	sadd.s32 $0x4080, s17;
	[dreg:$0x18] =	wrdreg s18  }
0x22: {  	s25 =	sadd.s32 $0xE3D00, s2;
	s20 =	sadd.s32 $0x5600, s17;
	[dreg:$0x19] =	wrdreg s19  }
0x23: {  	s16 =	sadd.s32 $0xAC00, s6;
	s21 =	sadd.s32 $0x6B80, s17;
	[dreg:$0x1a] =	wrdreg s20  }
0x24: {  	s24 =	sadd.s32 $0xEC80, s6;
	s26 =	sadd.s32 $0x8100, s17;
	[dreg:$0x1b] =	wrdreg s21  }
0x25: {  	s29 =	sadd.s32 $0xAC00, s17;
	s0 =	sshrl.u32 @p1 s0, $0x3;
	[dreg:$0x1c] =	wrdreg s26  }
0x26: {  	s30 =	sadd.s32 $0xC180, s17;
	s1 =	sadd.s32 $0xE7D80, s2;
	[dreg:$0xb] =	wrdreg s0  }
0x27: {  	s31 =	sadd.s32 $0xD700, s17;
	s28 =	sadd.s32 $0xF1400, s2;
	[dreg:$0xe] =	wrdreg s1  }
0x28: {  	s4 =	simm.s32 $0xF500;
	[dreg:$0x15] =	wrdreg s28;
	s1 =	sadd.s32 $0xF2980, s2  }
0x29: {  	s18 =	simm.s32 $0x0;
	s28 =	sadd.s32 $0x9680, s17;
	[dreg:$0x16] =	wrdreg s1  }
0x2a: {  	v4 =	vimm.f32 $0.0e+00;
	s0 =	sadd.s32 $0xEC80, s17;
	[dreg:$0x1d] =	wrdreg s28;
	s1 =	simm.s32 $0x1  }
.LBB2_1:
0x2b: {  	s19 =	simm.s32 $0x0;
	s20 =	rddreg [dreg:$0x5]  }
0x2c: {  	[tilespmem:s19], [sflag:$0x1] =	stream.linear.gather [hbm4b:s20+s19], $0x6200, $0x38;
	[tilespmem:$0x1FF10] =	vst v63  }
0x2d: {  	_ =	swait.ge [sflag:s1], $0x6200  }
0x2e: {  	[sflag:s1] =	ssyncset.done $0x0  }
0x2f: {  	s28 =	rddreg [dreg:$0x4];
	[sflag:s1] =	ssyncadd.s32 $0xFFFF9E00  }
0x30: {  	[tilespmem:s3], [sflag:$0x1] =	stream.linear.gather [hbm4b:s28+s19], $0x3100, $0x38;
	[tilespmem:$0x1FF10] =	vst v63  }
0x31: {  	_ =	swait.ge [sflag:s1], $0x3100  }
0x32: {  	[sflag:s1] =	ssyncset.done $0x0  }
0x33: {  	s20 =	simm.s32 $0x0;
	s19 =	simm.s32 $0x40;
	[sflag:s1] =	ssyncadd.s32 $0xFFFFCF00  }
.LBB2_2:
0x34: {  	p3 =	sne.s32 s19, $0x55C0;
	[tilespmem:s20+$0xF500] =	vst v4;
	s20 =	smov.u32 s19;
	s19 =	sadd.s32 $0x40, s19  }
.Ltmp0:
0x35: {  	(pc) =	sbr.rel @p3 .LBB2_2-.Ltmp0, $2  }
0x36: {  	_ =	sdelay $0x2  }
0x37: {  	s20 =	sshra.s32 s20, $0x2  }
0x38: {  	[tilespmem:s20+$0xF500] =	vst v4  }
0x39: {  	[spmem:s6] =	stream.linear.scatter [tilespmem:s4], [sflag:$0x1], $0x1580, $0x38;
	[tilespmem:$0x1FF10] =	vst v63  }
0x3a: {  	_ =	swait.ge [sflag:s1], $0x1580  }
0x3b: {  	[sflag:s1] =	ssyncset.done $0x0  }
0x3c: {  	[sflag:s1] =	ssyncadd.s32 $0xFFFFEA80  }
0x3d: {  	[spmem:s7] =	stream.linear.scatter [tilespmem:s4], [sflag:$0x1], $0x1580, $0x38;
	[tilespmem:$0x1FF10] =	vst v63  }
0x3e: {  	_ =	swait.ge [sflag:s1], $0x1580  }
0x3f: {  	[sflag:s1] =	ssyncset.done $0x0  }
0x40: {  	[sflag:s1] =	ssyncadd.s32 $0xFFFFEA80  }
0x41: {  	[spmem:s8] =	stream.linear.scatter [tilespmem:s4], [sflag:$0x1], $0x1580, $0x38;
	[tilespmem:$0x1FF10] =	vst v63  }
0x42: {  	_ =	swait.ge [sflag:s1], $0x1580  }
0x43: {  	[sflag:s1] =	ssyncset.done $0x0  }
0x44: {  	[sflag:s1] =	ssyncadd.s32 $0xFFFFEA80  }
0x45: {  	[spmem:s9] =	stream.linear.scatter [tilespmem:s4], [sflag:$0x1], $0x1580, $0x38;
	[tilespmem:$0x1FF10] =	vst v63  }
0x46: {  	_ =	swait.ge [sflag:s1], $0x1580  }
0x47: {  	[sflag:s1] =	ssyncset.done $0x0  }
0x48: {  	[sflag:s1] =	ssyncadd.s32 $0xFFFFEA80  }
0x49: {  	[spmem:s10] =	stream.linear.scatter [tilespmem:s4], [sflag:$0x1], $0x1580, $0x38;
	[tilespmem:$0x1FF10] =	vst v63  }
0x4a: {  	_ =	swait.ge [sflag:s1], $0x1580  }
0x4b: {  	[sflag:s1] =	ssyncset.done $0x0  }
0x4c: {  	[sflag:s1] =	ssyncadd.s32 $0xFFFFEA80  }
0x4d: {  	[spmem:s11] =	stream.linear.scatter [tilespmem:s4], [sflag:$0x1], $0x1580, $0x38;
	[tilespmem:$0x1FF10] =	vst v63  }
0x4e: {  	_ =	swait.ge [sflag:s1], $0x1580  }
0x4f: {  	[sflag:s1] =	ssyncset.done $0x0  }
0x50: {  	[sflag:s1] =	ssyncadd.s32 $0xFFFFEA80  }
0x51: {  	[spmem:s12] =	stream.linear.scatter [tilespmem:s4], [sflag:$0x1], $0x1580, $0x38;
	[tilespmem:$0x1FF10] =	vst v63  }
0x52: {  	_ =	swait.ge [sflag:s1], $0x1580  }
0x53: {  	[sflag:s1] =	ssyncset.done $0x0  }
0x54: {  	[sflag:s1] =	ssyncadd.s32 $0xFFFFEA80  }
0x55: {  	[spmem:s13] =	stream.linear.scatter [tilespmem:s4], [sflag:$0x1], $0x1580, $0x38;
	[tilespmem:$0x1FF10] =	vst v63  }
0x56: {  	_ =	swait.ge [sflag:s1], $0x1580  }
0x57: {  	[sflag:s1] =	ssyncset.done $0x0  }
0x58: {  	[sflag:s1] =	ssyncadd.s32 $0xFFFFEA80  }
0x59: {  	[spmem:s16] =	stream.linear.scatter [tilespmem:s4], [sflag:$0x1], $0x1580, $0x38;
	[tilespmem:$0x1FF10] =	vst v63  }
0x5a: {  	_ =	swait.ge [sflag:s1], $0x1580  }
0x5b: {  	[sflag:s1] =	ssyncset.done $0x0  }
0x5c: {  	[sflag:s1] =	ssyncadd.s32 $0xFFFFEA80  }
0x5d: {  	[spmem:s22] =	stream.linear.scatter [tilespmem:s4], [sflag:$0x1], $0x1580, $0x38;
	[tilespmem:$0x1FF10] =	vst v63  }
0x5e: {  	_ =	swait.ge [sflag:s1], $0x1580  }
0x5f: {  	[sflag:s1] =	ssyncset.done $0x0  }
0x60: {  	[sflag:s1] =	ssyncadd.s32 $0xFFFFEA80  }
0x61: {  	[spmem:s23] =	stream.linear.scatter [tilespmem:s4], [sflag:$0x1], $0x1580, $0x38;
	[tilespmem:$0x1FF10] =	vst v63  }
0x62: {  	_ =	swait.ge [sflag:s1], $0x1580  }
0x63: {  	[sflag:s1] =	ssyncset.done $0x0  }
0x64: {  	[sflag:s1] =	ssyncadd.s32 $0xFFFFEA80  }
0x65: {  	[spmem:s24] =	stream.linear.scatter [tilespmem:s4], [sflag:$0x1], $0x800, $0x38;
	[tilespmem:$0x1FF10] =	vst v63  }
0x66: {  	_ =	swait.ge [sflag:s1], $0x800  }
0x67: {  	[sflag:s1] =	ssyncset.done $0x0  }
0x68: {  	s20 =	simm.s32 $0x0;
	[sflag:s1] =	ssyncadd.s32 $0xFFFFF800  }
0x69: {  	s19 =	simm.s32 $0x0;
	s21 =	simm.s32 $0x40;
	v5 =	vld [tilespmem:s20+$0x0]  }
.LBB2_4:
0x6a: {  	_ =	sdelay $0x1  }
0x6b: {  	p3 =	sne.s32 s21, $0xC3C0  }
.Ltmp1:
0x6c: {  	_ = 	snop;
	(pc) =	sbr.rel @p3 .LBB2_4-.Ltmp1, $4  }
0x6d: {  	v6 =	vsub.s32 v5, v1  }
0x6e: {  	vm0 =	vlt.u32 v6, $0xF4800  }
0x6f: {  	s26 =	sshra.s32 s21, $0x2;
	v6 =	vsel vm0, v6, v0  }
0x70: {  	s21 =	sadd.s32 $0x40, s21;
	v5 =	vld [tilespmem:s26+$0x0];
	[tilespmem:s20+$0x6200] =	vst v6;
	s20 =	smov.u32 s26  }
0x71: {  	_ =	sdelay $0x3  }
0x72: {  	v5 =	vsub.s32 v5, v1  }
0x73: {  	vm0 =	vlt.u32 v5, $0xF4800  }
0x74: {  	v5 =	vsel vm0, v5, v0  }
0x75: {  	s19 =	sand.u32 $0x3FF0, s19;
	[tilespmem:s20+$0x6200] =	vst v5  }
0x76: {  	v5 =	vld [tilespmem:s19+$0x3100];
	_ =	sdelay $0x4  }
0x77: {  	v5 =	vsub.s32 v5, v1  }
0x78: {  	vm15 =	vlt.u32 v5, $0xF4800  }
0x79: {  	s28 =	simm.s32 $0x10;
	s19 =	simm.s32 $0x9300;
	v5 =	vsel vm15, v5, v0  }
0x7a: {  	s21 =	sand.u32 $0x3FF0, s28;
	s20 =	simm.s32 $0x20;
	[tilespmem:s19+$0x0] =	vst v5  }
.LBB2_6:
0x7b: {  	p3 =	sne.s32 s20, $0x30F0;
	v5 =	vld [tilespmem:s21+$0x3100];
	_ =	sdelay $0x3  }
.Ltmp2:
0x7c: {  	(pc) =	sbr.rel @p3 .LBB2_6-.Ltmp2, $4  }
0x7d: {  	v5 =	vsub.s32 v5, v1  }
0x7e: {  	vm0 =	vlt.u32 v5, $0xF4800  }
0x7f: {  	s19 =	sadd.s32 $0x10, s19;
	v5 =	vsel vm0, v5, v0  }
0x80: {  	s21 =	sand.u32 $0x3FF0, s20;
	s20 =	sadd.s32 $0x10, s20;
	[tilespmem:s19+$0x0] =	vst v5  }
0x81: {  	v5 =	vld [tilespmem:s21+$0x3100];
	_ =	sdelay $0x4  }
0x82: {  	v5 =	vsub.s32 v5, v1  }
0x83: {  	vm0 =	vlt.u32 v5, $0xF4800  }
0x84: {  	s19 =	sadd.s32 $0x10, s19;
	v5 =	vsel vm0, v5, v0  }
0x85: {  	[tilespmem:s19+$0x0] =	vst v5  }
0x86: {  	[bflag:$0x0] =	sbarrier.arrive $0xFFFF  }
0x87: {  	[spmem:s2] =	stream.indirect.scatter.add.f32 [tilespmem:s3], [sflag:$0x1], $0x1, s14, s5, $0xb8;
	[tilespmem:$0x1FF10] =	vst v63  }
0x88: {  	_ =	swait.ge [sflag:s1], $0x3100  }
0x89: {  	[sflag:s1] =	ssyncset.done $0x0  }
0x8a: {  	[sflag:s1] =	ssyncadd.s32 $0xFFFFCF00  }
0x8b: {  	[spmem:s2] =	stream.indirect.scatter.add.f32 [tilespmem:s3], [sflag:$0x1], $0x1, s15, s5, $0xb8;
	[tilespmem:$0x1FF10] =	vst v63  }
0x8c: {  	_ =	swait.ge [sflag:s1], $0x3100  }
0x8d: {  	[sflag:s1] =	ssyncset.done $0x0  }
0x8e: {  	s26 =	stileid.u32;
	[sflag:s1] =	ssyncadd.s32 $0xFFFFCF00  }
0x8f: {  	s19 =	sshll.u32 s26, $0x6;
	[bflag:$0x0] =	sbarrier.arrive $0xFFFF  }
0x90: {  	s20 =	sshrl.u32 s6, $0x3;
	s19 =	sor.u32 $0x1C01, s19;
	s28 =	rddreg [dreg:$0x6]  }
0x91: {  	[hbm:s28], [sflag:s19] =	dma.local [spmem:s20], $0x1E90  }
0x92: {  	_ =	swait.ge [sflag:s1], $0x1E90  }
0x93: {  	[sflag:s1] =	ssyncset.done $0x0  }
0x94: {  	[sflag:s1] =	ssyncadd.s32 $0xFFFFE170  }
0x95: {  	s21 =	simm.s32 @!p0 $0x1;
	s20 =	simm.s32 @!p0 $0xF500;
	[bflag:$0x0] =	sbarrier.arrive $0xFFFF  }
0x96: {  	[spmem:s6] =	stream.linear.scatter @!p0 [tilespmem:s20], [sflag:$0x1], $0x1580, $0x38;
	[tilespmem:$0x1FF10] =	vst v63  }
0x97: {  	_ =	swait.ge @!p0 [sflag:s21], $0x1580  }
0x98: {  	[sflag:s21] =	ssyncset.done @!p0 $0x0  }
0x99: {  	[sflag:s21] =	ssyncadd.s32 @!p0 $0xFFFFEA80  }
0x9a: {  	[spmem:s7] =	stream.linear.scatter @!p0 [tilespmem:s20], [sflag:$0x1], $0x1580, $0x38;
	[tilespmem:$0x1FF10] =	vst v63  }
0x9b: {  	_ =	swait.ge @!p0 [sflag:s21], $0x1580  }
0x9c: {  	[sflag:s21] =	ssyncset.done @!p0 $0x0  }
0x9d: {  	[sflag:s21] =	ssyncadd.s32 @!p0 $0xFFFFEA80  }
0x9e: {  	[spmem:s8] =	stream.linear.scatter @!p0 [tilespmem:s20], [sflag:$0x1], $0x1580, $0x38;
	[tilespmem:$0x1FF10] =	vst v63  }
0x9f: {  	_ =	swait.ge @!p0 [sflag:s21], $0x1580  }
0xa0: {  	[sflag:s21] =	ssyncset.done @!p0 $0x0  }
0xa1: {  	[sflag:s21] =	ssyncadd.s32 @!p0 $0xFFFFEA80  }
0xa2: {  	[spmem:s9] =	stream.linear.scatter @!p0 [tilespmem:s20], [sflag:$0x1], $0x1580, $0x38;
	[tilespmem:$0x1FF10] =	vst v63  }
0xa3: {  	_ =	swait.ge @!p0 [sflag:s21], $0x1580  }
0xa4: {  	[sflag:s21] =	ssyncset.done @!p0 $0x0  }
0xa5: {  	[sflag:s21] =	ssyncadd.s32 @!p0 $0xFFFFEA80  }
0xa6: {  	[spmem:s10] =	stream.linear.scatter @!p0 [tilespmem:s20], [sflag:$0x1], $0x1580, $0x38;
	[tilespmem:$0x1FF10] =	vst v63  }
0xa7: {  	_ =	swait.ge @!p0 [sflag:s21], $0x1580  }
0xa8: {  	[sflag:s21] =	ssyncset.done @!p0 $0x0  }
0xa9: {  	[sflag:s21] =	ssyncadd.s32 @!p0 $0xFFFFEA80  }
0xaa: {  	[spmem:s11] =	stream.linear.scatter @!p0 [tilespmem:s20], [sflag:$0x1], $0x1580, $0x38;
	[tilespmem:$0x1FF10] =	vst v63  }
0xab: {  	_ =	swait.ge @!p0 [sflag:s21], $0x1580  }
0xac: {  	[sflag:s21] =	ssyncset.done @!p0 $0x0  }
0xad: {  	[sflag:s21] =	ssyncadd.s32 @!p0 $0xFFFFEA80  }
0xae: {  	[spmem:s12] =	stream.linear.scatter @!p0 [tilespmem:s20], [sflag:$0x1], $0x1580, $0x38;
	[tilespmem:$0x1FF10] =	vst v63  }
0xaf: {  	_ =	swait.ge @!p0 [sflag:s21], $0x1580  }
0xb0: {  	[sflag:s21] =	ssyncset.done @!p0 $0x0  }
0xb1: {  	[sflag:s21] =	ssyncadd.s32 @!p0 $0xFFFFEA80  }
0xb2: {  	[spmem:s13] =	stream.linear.scatter @!p0 [tilespmem:s20], [sflag:$0x1], $0x1580, $0x38;
	[tilespmem:$0x1FF10] =	vst v63  }
0xb3: {  	_ =	swait.ge @!p0 [sflag:s21], $0x1580  }
0xb4: {  	[sflag:s21] =	ssyncset.done @!p0 $0x0  }
0xb5: {  	[sflag:s21] =	ssyncadd.s32 @!p0 $0xFFFFEA80  }
0xb6: {  	[spmem:s16] =	stream.linear.scatter @!p0 [tilespmem:s20], [sflag:$0x1], $0x1580, $0x38;
	[tilespmem:$0x1FF10] =	vst v63  }
0xb7: {  	_ =	swait.ge @!p0 [sflag:s21], $0x1580  }
0xb8: {  	[sflag:s21] =	ssyncset.done @!p0 $0x0  }
0xb9: {  	[sflag:s21] =	ssyncadd.s32 @!p0 $0xFFFFEA80  }
0xba: {  	[spmem:s22] =	stream.linear.scatter @!p0 [tilespmem:s20], [sflag:$0x1], $0x1580, $0x38;
	[tilespmem:$0x1FF10] =	vst v63  }
0xbb: {  	_ =	swait.ge @!p0 [sflag:s21], $0x1580  }
0xbc: {  	[sflag:s21] =	ssyncset.done @!p0 $0x0  }
0xbd: {  	[sflag:s21] =	ssyncadd.s32 @!p0 $0xFFFFEA80  }
0xbe: {  	[spmem:s23] =	stream.linear.scatter @!p0 [tilespmem:s20], [sflag:$0x1], $0x1580, $0x38;
	[tilespmem:$0x1FF10] =	vst v63  }
0xbf: {  	_ =	swait.ge @!p0 [sflag:s21], $0x1580  }
0xc0: {  	[sflag:s21] =	ssyncset.done @!p0 $0x0  }
0xc1: {  	[sflag:s21] =	ssyncadd.s32 @!p0 $0xFFFFEA80  }
0xc2: {  	[spmem:s24] =	stream.linear.scatter @!p0 [tilespmem:s20], [sflag:$0x1], $0x800, $0x38;
	[tilespmem:$0x1FF10] =	vst v63  }
0xc3: {  	_ =	swait.ge @!p0 [sflag:s21], $0x800  }
0xc4: {  	[sflag:s21] =	ssyncset.done @!p0 $0x0  }
0xc5: {  	s20 =	simm.s32 @!p2 $0xF500;
	[sflag:s21] =	ssyncadd.s32 @!p0 $0xFFFFF800;
	s21 =	simm.s32 @!p2 $0x1  }
0xc6: {  	[spmem:s25] =	stream.linear.scatter @!p2 [tilespmem:s20], [sflag:$0x1], $0x1580, $0x38;
	[tilespmem:$0x1FF10] =	vst v63  }
0xc7: {  	_ =	swait.ge @!p2 [sflag:s21], $0x1580  }
0xc8: {  	[sflag:s21] =	ssyncset.done @!p2 $0x0  }
0xc9: {  	s26 =	rddreg [dreg:$0xc];
	[sflag:s21] =	ssyncadd.s32 @!p2 $0xFFFFEA80  }
0xca: {  	[spmem:s26] =	stream.linear.scatter @!p2 [tilespmem:s20], [sflag:$0x1], $0x1580, $0x38;
	[tilespmem:$0x1FF10] =	vst v63  }
0xcb: {  	_ =	swait.ge @!p2 [sflag:s21], $0x1580  }
0xcc: {  	[sflag:s21] =	ssyncset.done @!p2 $0x0  }
0xcd: {  	s26 =	rddreg [dreg:$0xd];
	[sflag:s21] =	ssyncadd.s32 @!p2 $0xFFFFEA80  }
0xce: {  	[spmem:s26] =	stream.linear.scatter @!p2 [tilespmem:s20], [sflag:$0x1], $0x1580, $0x38;
	[tilespmem:$0x1FF10] =	vst v63  }
0xcf: {  	_ =	swait.ge @!p2 [sflag:s21], $0x1580  }
0xd0: {  	[sflag:s21] =	ssyncset.done @!p2 $0x0  }
0xd1: {  	s26 =	rddreg [dreg:$0xe];
	[sflag:s21] =	ssyncadd.s32 @!p2 $0xFFFFEA80  }
0xd2: {  	[spmem:s26] =	stream.linear.scatter @!p2 [tilespmem:s20], [sflag:$0x1], $0x1580, $0x38;
	[tilespmem:$0x1FF10] =	vst v63  }
0xd3: {  	_ =	swait.ge @!p2 [sflag:s21], $0x1580  }
0xd4: {  	[sflag:s21] =	ssyncset.done @!p2 $0x0  }
0xd5: {  	s26 =	rddreg [dreg:$0xf];
	[sflag:s21] =	ssyncadd.s32 @!p2 $0xFFFFEA80  }
0xd6: {  	[spmem:s26] =	stream.linear.scatter @!p2 [tilespmem:s20], [sflag:$0x1], $0x1580, $0x38;
	[tilespmem:$0x1FF10] =	vst v63  }
0xd7: {  	_ =	swait.ge @!p2 [sflag:s21], $0x1580  }
0xd8: {  	[sflag:s21] =	ssyncset.done @!p2 $0x0  }
0xd9: {  	s26 =	rddreg [dreg:$0x10];
	[sflag:s21] =	ssyncadd.s32 @!p2 $0xFFFFEA80  }
0xda: {  	[spmem:s26] =	stream.linear.scatter @!p2 [tilespmem:s20], [sflag:$0x1], $0x1580, $0x38;
	[tilespmem:$0x1FF10] =	vst v63  }
0xdb: {  	_ =	swait.ge @!p2 [sflag:s21], $0x1580  }
0xdc: {  	[sflag:s21] =	ssyncset.done @!p2 $0x0  }
0xdd: {  	s26 =	rddreg [dreg:$0x11];
	[sflag:s21] =	ssyncadd.s32 @!p2 $0xFFFFEA80  }
0xde: {  	[spmem:s26] =	stream.linear.scatter @!p2 [tilespmem:s20], [sflag:$0x1], $0x1580, $0x38;
	[tilespmem:$0x1FF10] =	vst v63  }
0xdf: {  	_ =	swait.ge @!p2 [sflag:s21], $0x1580  }
0xe0: {  	[sflag:s21] =	ssyncset.done @!p2 $0x0  }
0xe1: {  	s26 =	rddreg [dreg:$0x12];
	[sflag:s21] =	ssyncadd.s32 @!p2 $0xFFFFEA80  }
0xe2: {  	[spmem:s26] =	stream.linear.scatter @!p2 [tilespmem:s20], [sflag:$0x1], $0x1580, $0x38;
	[tilespmem:$0x1FF10] =	vst v63  }
0xe3: {  	_ =	swait.ge @!p2 [sflag:s21], $0x1580  }
0xe4: {  	[sflag:s21] =	ssyncset.done @!p2 $0x0  }
0xe5: {  	s26 =	rddreg [dreg:$0x13];
	[sflag:s21] =	ssyncadd.s32 @!p2 $0xFFFFEA80  }
0xe6: {  	[spmem:s26] =	stream.linear.scatter @!p2 [tilespmem:s20], [sflag:$0x1], $0x1580, $0x38;
	[tilespmem:$0x1FF10] =	vst v63  }
0xe7: {  	_ =	swait.ge @!p2 [sflag:s21], $0x1580  }
0xe8: {  	[sflag:s21] =	ssyncset.done @!p2 $0x0  }
0xe9: {  	s26 =	rddreg [dreg:$0x14];
	[sflag:s21] =	ssyncadd.s32 @!p2 $0xFFFFEA80  }
0xea: {  	[spmem:s26] =	stream.linear.scatter @!p2 [tilespmem:s20], [sflag:$0x1], $0x1580, $0x38;
	[tilespmem:$0x1FF10] =	vst v63  }
0xeb: {  	_ =	swait.ge @!p2 [sflag:s21], $0x1580  }
0xec: {  	[sflag:s21] =	ssyncset.done @!p2 $0x0  }
0xed: {  	s26 =	rddreg [dreg:$0x15];
	[sflag:s21] =	ssyncadd.s32 @!p2 $0xFFFFEA80  }
0xee: {  	[spmem:s26] =	stream.linear.scatter @!p2 [tilespmem:s20], [sflag:$0x1], $0x1580, $0x38;
	[tilespmem:$0x1FF10] =	vst v63  }
0xef: {  	_ =	swait.ge @!p2 [sflag:s21], $0x1580  }
0xf0: {  	[sflag:s21] =	ssyncset.done @!p2 $0x0  }
0xf1: {  	s26 =	rddreg [dreg:$0x16];
	[sflag:s21] =	ssyncadd.s32 @!p2 $0xFFFFEA80  }
0xf2: {  	[spmem:s26] =	stream.linear.scatter @!p2 [tilespmem:s20], [sflag:$0x1], $0x780, $0x38;
	[tilespmem:$0x1FF10] =	vst v63  }
0xf3: {  	_ =	swait.ge @!p2 [sflag:s21], $0x780  }
0xf4: {  	[sflag:s21] =	ssyncset.done @!p2 $0x0  }
0xf5: {  	s20 =	simm.s32 @p1 $0xF500;
	[sflag:s21] =	ssyncadd.s32 @!p2 $0xFFFFF880;
	s21 =	simm.s32 @p1 $0x1  }
0xf6: {  	[spmem:s17] =	stream.linear.scatter @p1 [tilespmem:s20], [sflag:$0x1], $0x1580, $0x38;
	[tilespmem:$0x1FF10] =	vst v63  }
0xf7: {  	_ =	swait.ge @p1 [sflag:s21], $0x1580  }
0xf8: {  	[sflag:s21] =	ssyncset.done @p1 $0x0  }
0xf9: {  	s26 =	rddreg [dreg:$0x17];
	[sflag:s21] =	ssyncadd.s32 @p1 $0xFFFFEA80  }
0xfa: {  	[spmem:s26] =	stream.linear.scatter @p1 [tilespmem:s20], [sflag:$0x1], $0x1580, $0x38;
	[tilespmem:$0x1FF10] =	vst v63  }
0xfb: {  	_ =	swait.ge @p1 [sflag:s21], $0x1580  }
0xfc: {  	[sflag:s21] =	ssyncset.done @p1 $0x0  }
0xfd: {  	s26 =	rddreg [dreg:$0x18];
	[sflag:s21] =	ssyncadd.s32 @p1 $0xFFFFEA80  }
0xfe: {  	[spmem:s26] =	stream.linear.scatter @p1 [tilespmem:s20], [sflag:$0x1], $0x1580, $0x38;
	[tilespmem:$0x1FF10] =	vst v63  }
0xff: {  	_ =	swait.ge @p1 [sflag:s21], $0x1580  }
0x100: {  	[sflag:s21] =	ssyncset.done @p1 $0x0  }
0x101: {  	s26 =	rddreg [dreg:$0x19];
	[sflag:s21] =	ssyncadd.s32 @p1 $0xFFFFEA80  }
0x102: {  	[spmem:s26] =	stream.linear.scatter @p1 [tilespmem:s20], [sflag:$0x1], $0x1580, $0x38;
	[tilespmem:$0x1FF10] =	vst v63  }
0x103: {  	_ =	swait.ge @p1 [sflag:s21], $0x1580  }
0x104: {  	[sflag:s21] =	ssyncset.done @p1 $0x0  }
0x105: {  	s26 =	rddreg [dreg:$0x1a];
	[sflag:s21] =	ssyncadd.s32 @p1 $0xFFFFEA80  }
0x106: {  	[spmem:s26] =	stream.linear.scatter @p1 [tilespmem:s20], [sflag:$0x1], $0x1580, $0x38;
	[tilespmem:$0x1FF10] =	vst v63  }
0x107: {  	_ =	swait.ge @p1 [sflag:s21], $0x1580  }
0x108: {  	[sflag:s21] =	ssyncset.done @p1 $0x0  }
0x109: {  	s26 =	rddreg [dreg:$0x1b];
	[sflag:s21] =	ssyncadd.s32 @p1 $0xFFFFEA80  }
0x10a: {  	[spmem:s26] =	stream.linear.scatter @p1 [tilespmem:s20], [sflag:$0x1], $0x1580, $0x38;
	[tilespmem:$0x1FF10] =	vst v63  }
0x10b: {  	_ =	swait.ge @p1 [sflag:s21], $0x1580  }
0x10c: {  	[sflag:s21] =	ssyncset.done @p1 $0x0  }
0x10d: {  	s26 =	rddreg [dreg:$0x1c];
	[sflag:s21] =	ssyncadd.s32 @p1 $0xFFFFEA80  }
0x10e: {  	[spmem:s26] =	stream.linear.scatter @p1 [tilespmem:s20], [sflag:$0x1], $0x1580, $0x38;
	[tilespmem:$0x1FF10] =	vst v63  }
0x10f: {  	_ =	swait.ge @p1 [sflag:s21], $0x1580  }
0x110: {  	[sflag:s21] =	ssyncset.done @p1 $0x0  }
0x111: {  	s26 =	rddreg [dreg:$0x1d];
	[sflag:s21] =	ssyncadd.s32 @p1 $0xFFFFEA80  }
0x112: {  	[spmem:s26] =	stream.linear.scatter @p1 [tilespmem:s20], [sflag:$0x1], $0x1580, $0x38;
	[tilespmem:$0x1FF10] =	vst v63  }
0x113: {  	_ =	swait.ge @p1 [sflag:s21], $0x1580  }
0x114: {  	[sflag:s21] =	ssyncset.done @p1 $0x0  }
0x115: {  	[sflag:s21] =	ssyncadd.s32 @p1 $0xFFFFEA80  }
0x116: {  	[spmem:s29] =	stream.linear.scatter @p1 [tilespmem:s20], [sflag:$0x1], $0x1580, $0x38;
	[tilespmem:$0x1FF10] =	vst v63  }
0x117: {  	_ =	swait.ge @p1 [sflag:s21], $0x1580  }
0x118: {  	[sflag:s21] =	ssyncset.done @p1 $0x0  }
0x119: {  	[sflag:s21] =	ssyncadd.s32 @p1 $0xFFFFEA80  }
0x11a: {  	[spmem:s30] =	stream.linear.scatter @p1 [tilespmem:s20], [sflag:$0x1], $0x1580, $0x38;
	[tilespmem:$0x1FF10] =	vst v63  }
0x11b: {  	_ =	swait.ge @p1 [sflag:s21], $0x1580  }
0x11c: {  	[sflag:s21] =	ssyncset.done @p1 $0x0  }
0x11d: {  	[sflag:s21] =	ssyncadd.s32 @p1 $0xFFFFEA80  }
0x11e: {  	[spmem:s31] =	stream.linear.scatter @p1 [tilespmem:s20], [sflag:$0x1], $0x1580, $0x38;
	[tilespmem:$0x1FF10] =	vst v63  }
0x11f: {  	_ =	swait.ge @p1 [sflag:s21], $0x1580  }
0x120: {  	[sflag:s21] =	ssyncset.done @p1 $0x0  }
0x121: {  	[sflag:s21] =	ssyncadd.s32 @p1 $0xFFFFEA80  }
0x122: {  	[spmem:s0] =	stream.linear.scatter @p1 [tilespmem:s20], [sflag:$0x1], $0x680, $0x38;
	[tilespmem:$0x1FF10] =	vst v63  }
0x123: {  	_ =	swait.ge @p1 [sflag:s21], $0x680  }
0x124: {  	[sflag:s21] =	ssyncset.done @p1 $0x0  }
0x125: {  	s20 =	simm.s32 $0x0;
	[sflag:s21] =	ssyncadd.s32 @p1 $0xFFFFF980  }
0x126: {  	v5 =	vld [tilespmem:s20+$0x0]  }
0x127: {  	p4 =	por @!p1 $0x0, $0x0;
	p3 =	por @!p2 $0x1, $0x1  }
0x128: {  	p4 =	por @!p2 p3, p3;
	p3 =	por @p1 $0x0, $0x0  }
0x129: {  	p3 =	por @!p1 p4, p4;
	s26 =	simm.s32 $0x40;
	s21 =	simm.s32 $0x0  }
.LBB2_8:
0x12a: {  	p4 =	sne.s32 s26, $0xC3C0  }
.Ltmp3:
0x12b: {  	s28 =	sshra.s32 s26, $0x2;
	s26 =	sadd.s32 $0x40, s26;
	v6 =	vsub.s32 v5, v2;
	(pc) =	sbr.rel @p4 .LBB2_8-.Ltmp3, $4  }
0x12c: {  	v5 =	vld [tilespmem:s28+$0x0];
	vm0 =	vgt.s32 v6, $0xFFFFFFFF;
	vm1 =	vlt.s32 v6, v3  }
0x12d: {  	vm0 =	vmand vm0, vm1  }
0x12e: {  	v6 =	vsel vm0, v6, v0  }
0x12f: {  	[tilespmem:s20+$0x6200] =	vst v6;
	s20 =	smov.u32 s28  }
0x130: {  	_ = 	snop  }
0x131: {  	v5 =	vsub.s32 v5, v2  }
0x132: {  	vm0 =	vgt.s32 v5, $0xFFFFFFFF;
	vm1 =	vlt.s32 v5, v3  }
0x133: {  	vm0 =	vmand vm0, vm1  }
0x134: {  	v5 =	vsel vm0, v5, v0  }
0x135: {  	s26 =	sand.u32 $0x3FF0, s21;
	[tilespmem:s20+$0x6200] =	vst v5  }
0x136: {  	v5 =	vld [tilespmem:s26+$0x3100];
	_ =	sdelay $0x4  }
0x137: {  	v5 =	vsub.s32 v5, v2  }
0x138: {  	vm14 =	vgt.s32 v5, $0xFFFFFFFF;
	vm15 =	vlt.s32 v5, v3  }
0x139: {  	vm0 =	vmand vm14, vm15  }
0x13a: {  	s28 =	simm.s32 $0x10;
	s20 =	simm.s32 $0x9300;
	v5 =	vsel vm0, v5, v0  }
0x13b: {  	s21 =	simm.s32 $0x20;
	s26 =	sand.u32 $0x3FF0, s28;
	[tilespmem:s20+$0x0] =	vst v5  }
.LBB2_10:
0x13c: {  	p4 =	sne.s32 s21, $0x30F0;
	v5 =	vld [tilespmem:s26+$0x3100];
	_ =	sdelay $0x4  }
.Ltmp4:
0x13d: {  	v5 =	vsub.s32 v5, v2;
	(pc) =	sbr.rel @p4 .LBB2_10-.Ltmp4, $4  }
0x13e: {  	vm0 =	vgt.s32 v5, $0xFFFFFFFF;
	vm1 =	vlt.s32 v5, v3  }
0x13f: {  	vm0 =	vmand vm0, vm1  }
0x140: {  	s20 =	sadd.s32 $0x10, s20;
	v5 =	vsel vm0, v5, v0  }
0x141: {  	s26 =	sand.u32 $0x3FF0, s21;
	s21 =	sadd.s32 $0x10, s21;
	[tilespmem:s20+$0x0] =	vst v5  }
0x142: {  	v5 =	vld [tilespmem:s26+$0x3100];
	_ =	sdelay $0x4  }
0x143: {  	v5 =	vsub.s32 v5, v2  }
0x144: {  	vm0 =	vgt.s32 v5, $0xFFFFFFFF;
	vm1 =	vlt.s32 v5, v3  }
0x145: {  	vm0 =	vmand vm0, vm1  }
0x146: {  	s20 =	sadd.s32 $0x10, s20;
	v5 =	vsel vm0, v5, v0  }
0x147: {  	[tilespmem:s20+$0x0] =	vst v5  }
0x148: {  	[bflag:$0x0] =	sbarrier.arrive $0xFFFF  }
0x149: {  	[spmem:s2] =	stream.indirect.scatter.add.f32 [tilespmem:s3], [sflag:$0x1], $0x1, s14, s5, $0xb8;
	[tilespmem:$0x1FF10] =	vst v63  }
0x14a: {  	_ =	swait.ge [sflag:s1], $0x3100  }
0x14b: {  	[sflag:s1] =	ssyncset.done $0x0  }
0x14c: {  	[sflag:s1] =	ssyncadd.s32 $0xFFFFCF00  }
0x14d: {  	[spmem:s2] =	stream.indirect.scatter.add.f32 [tilespmem:s3], [sflag:$0x1], $0x1, s15, s5, $0xb8;
	[tilespmem:$0x1FF10] =	vst v63  }
0x14e: {  	_ =	swait.ge [sflag:s1], $0x3100  }
0x14f: {  	[sflag:s1] =	ssyncset.done $0x0  }
0x150: {  	[sflag:s1] =	ssyncadd.s32 $0xFFFFCF00  }
0x151: {  	[bflag:$0x0] =	sbarrier.arrive $0xFFFF  }
0x152: {  	s20 =	sshrl.u32 @!p0 s6, $0x3;
	s21 =	rddreg [dreg:$0x8]  }
0x153: {  	[hbm:s21], [sflag:s19] =	dma.local @!p0 [spmem:s20], $0x1E90  }
0x154: {  	s20 =	simm.s32 @!p0 $0x1  }
0x155: {  	_ =	swait.ge @!p0 [sflag:s20], $0x1E90  }
0x156: {  	[sflag:s20] =	ssyncset.done @!p0 $0x0;
	s21 =	rddreg [dreg:$0xb]  }
0x157: {  	[sflag:s20] =	ssyncadd.s32 @!p0 $0xFFFFE170;
	s20 =	rddreg [dreg:$0x7]  }
0x158: {  	[hbm:s20], [sflag:s19] =	dma.local @p1 [spmem:s21], $0x1E60  }
0x159: {  	s20 =	simm.s32 @p1 $0x1  }
0x15a: {  	_ =	swait.ge @p1 [sflag:s20], $0x1E60  }
0x15b: {  	[sflag:s20] =	ssyncset.done @p1 $0x0  }
0x15c: {  	s21 =	rddreg [dreg:$0x9];
	[sflag:s20] =	ssyncadd.s32 @p1 $0xFFFFE1A0;
	s20 =	sshrl.u32 @p3 s25, $0x3  }
0x15d: {  	[hbm:s21], [sflag:s19] =	dma.local @p3 [spmem:s20], $0x1E80  }
0x15e: {  	s19 =	simm.s32 @p3 $0x1  }
0x15f: {  	_ =	swait.ge @p3 [sflag:s19], $0x1E80  }
0x160: {  	s18 =	sadd.s32 $0x1, s18;
	s28 =	rddreg [dreg:$0xa]  }
0x161: {  	p4 =	sne.s32 s18, s28  }
.Ltmp5:
0x162: {  	_ = 	snop;
	(pc) =	sbr.rel @p4 .LBB2_1-.Ltmp5, $3  }
0x163: {  	_ =	sdelay $0x1  }
0x164: {  	[sflag:s19] =	ssyncset.done @p3 $0x0  }
0x165: {  	[sflag:s19] =	ssyncadd.s32 @p3 $0xFFFFE180  }
0x166: {  	_ =	sfence.sel $0x180000  }
0x167: {  	[bflag:$0x0] =	sbarrier.arrive $0xFFFF  }
0x168: {  	_ =	strace $0x90000047  }
0x169: {  	s0 =	stileid.u32;
	[bflag:$0x2] =	sbarrier.arrive $0xFFFF  }
0x16a: {  	p0 =	sne.s32 s0, $0x0;
	s0 =	rddreg [dreg:$0x3]  }
0x16b: {  	s0 =	sadd.s32 @!p0 $0x100000, s0  }
0x16c: {  	[sflag:s0] =	ssyncadd.tile.s32 @!p0 $0x1;
	_ =	shalt  }
.Lfunc_end2:
_tile_overlayer_lowered:
.L_overlay_start_2:
0x16d: {  	(tag) =	ssettag $0x2  }
0x16e: {  	s0 =	rddreg [dreg:$0x0];
	s2 =	stileid.u32  }
0x16f: {  	s1 =	rddreg [dreg:$0x1];
	p0 =	sne.s32 s2, $0x0  }
0x170: {  	s3 =	rddreg [dreg:$0x2];
	[bflag:$0x3] =	sbarrier.arrive $0xFFFF;
	s2 =	simm.s32 @!p0 $0x1C01  }
0x171: {  	[timem:s3], [sflag:s2] =	dma.local @!p0 [hbm:s0], s1  }
0x172: {  	s0 =	simm.s32 @!p0 $0x1  }
0x173: {  	_ =	swait.ge @!p0 [sflag:s0], s1  }
0x174: {  	s1 =	ssub.s32 @!p0 $0x0, s1;
	[sflag:s0] =	ssyncset.done @!p0 $0x0  }
0x175: {  	[sflag:s0] =	ssyncadd.s32 @!p0 s1  }
0x176: {  	[bflag:$0x3] =	sbarrier.arrive $0xFFFF  }
0x177: {  	_ =	shalt  }

</sc_bundles>
